<compile_context>
chip_gen: v7x
topology: tpu7x:2x2x1
jax: 0.10.2.dev20260603
libtpu: 0.0.44.dev20260713+nightly
codegen_flags: <defaults>
</compile_context>

<pallas_src>
import functools

import jax
import jax.numpy as jnp
from jax import lax
from jax.experimental import pallas as pl
from jax.experimental.pallas import tpu as pltpu
from jax.experimental.pallas import tpu_sc as plsc

_NUM_CLASSES = 80
_CONF_THR = 0.05
_IOU_THR = 0.5
_MAX_PER_CLASS = 100
_MAX_DET = 100
_PRE_TOPK = 1000

_A = 49104
_A_PAD = 49152
_ROWS = 320
_L = 16
_VECS = _A_PAD // _L
_GT_CAP = 1024
_EQ_CAP = 1024
_WIDTH = _GT_CAP + _EQ_CAP
_NWORKERS = 32
_ROWS_PER = _ROWS // _NWORKERS



def _sc_select_body(scores_hbm, table_hbm, cs_hbm, bp_hbm,
                    data_v, hist_v, bufs_v, bufi_v, rows_v, sem):
    wid = lax.axis_index("s") * 2 + lax.axis_index("c")
    lane = lax.iota(jnp.int32, _L)
    ones_i = jnp.ones((_L,), jnp.int32)

    def row_body(ri, _carry):
        r = wid * _ROWS_PER + ri
        img_base = (r // _NUM_CLASSES) * _A
        pltpu.sync_copy(scores_hbm.at[r], data_v)

        prefix = jnp.int32(0)
        c_above = jnp.int32(0)
        for p in range(4):
            shift = 24 - 8 * p

            def zero_body(i, c):
                hist_v[pl.ds(i * _L, _L)] = jnp.zeros((_L,), jnp.int32)
                return c
            lax.fori_loop(0, 256, zero_body, 0)

            @plsc.parallel_loop(0, _VECS, unroll=8)
            def hist_body(i, _shift=shift, _prefix=prefix):
                v = data_v[i >> 3, pl.ds((i & 7) * _L, _L)]
                b = lax.bitcast_convert_type(v, jnp.int32)
                key = lax.shift_right_logical(b, _shift)
                binv = lax.bitwise_and(key, 0xFF)
                match = lax.shift_right_logical(key, 8) == _prefix
                idx = lax.bitwise_or(lax.shift_left(binv, 4), lane)
                plsc.addupdate_scatter(hist_v, [idx], ones_i, mask=match)

            def scan_body(i, carry, _c_above=c_above):
                cum, found_bin, c_add = carry
                bnum = 255 - i
                t = jnp.sum(hist_v[pl.ds(bnum * _L, _L)])
                not_found = found_bin < 0
                hit = not_found & (_c_above + cum + t >= _PRE_TOPK)
                found_bin = jnp.where(hit, bnum, found_bin)
                c_add = jnp.where(hit, cum, c_add)
                cum = jnp.where(not_found & jnp.logical_not(hit), cum + t, cum)
                return cum, found_bin, c_add
            _, fbin, c_add = lax.fori_loop(
                0, 256, scan_body, (jnp.int32(0), jnp.int32(-1), jnp.int32(0)))
            prefix = lax.bitwise_or(lax.shift_left(prefix, 8), fbin)
            c_above = c_above + c_add

        thr_bits = prefix
        need_ties = _PRE_TOPK - c_above

        def init_body(i, c):
            bufs_v[pl.ds(i * _L, _L)] = jnp.full((_L,), -1.0, jnp.float32)
            bufi_v[pl.ds(i * _L, _L)] = jnp.full((_L,), img_base, jnp.int32)
            return c
        lax.fori_loop(0, _WIDTH // _L, init_body, 0)

        def comp_body(i, carry):
            cgt, ceq = carry
            v = data_v[i >> 3, pl.ds((i & 7) * _L, _L)]
            b = lax.bitcast_convert_type(v, jnp.int32)
            gidx = lane + (img_base + i * _L)
            m_gt = b > thr_bits
            m_eq = b == thr_bits
            plsc.store_compressed(bufs_v.at[pl.ds(cgt, _L)], v, mask=m_gt)
            plsc.store_compressed(bufi_v.at[pl.ds(cgt, _L)], gidx, mask=m_gt)
            cgt = cgt + jnp.sum(m_gt.astype(jnp.int32))

            @pl.when(ceq <= _EQ_CAP - _L)
            def _():
                plsc.store_compressed(
                    bufs_v.at[pl.ds(_GT_CAP + ceq, _L)], v, mask=m_eq)
                plsc.store_compressed(
                    bufi_v.at[pl.ds(_GT_CAP + ceq, _L)], gidx, mask=m_eq)
            ceq = jnp.minimum(ceq + jnp.sum(m_eq.astype(jnp.int32)),
                              jnp.int32(_EQ_CAP))
            return cgt, ceq
        plsc.parallel_loop(
            0, _VECS, unroll=4,
            carry=(jnp.int32(0), jnp.int32(0)))(comp_body)

        def trim_body(i, c):
            pos = lane + i * _L
            v = bufs_v[pl.ds(_GT_CAP + i * _L, _L)]
            bufs_v[pl.ds(_GT_CAP + i * _L, _L)] = jnp.where(
                pos < need_ties, v, -1.0)
            return c
        lax.fori_loop(0, _EQ_CAP // _L, trim_body, 0)

        pltpu.async_copy(table_hbm.at[bufi_v], rows_v, sem).wait()

        pltpu.sync_copy(bufs_v, cs_hbm.at[r])
        pltpu.sync_copy(rows_v, bp_hbm.at[r])
        return _carry

    lax.fori_loop(0, _ROWS_PER, row_body, 0)


def _sc_select(scores_rows, table):
    mesh = plsc.VectorSubcoreMesh(core_axis_name="c", subcore_axis_name="s")
    return pl.kernel(
        _sc_select_body,
        mesh=mesh,
        out_type=(
            jax.ShapeDtypeStruct((_ROWS, _WIDTH), jnp.float32),
            jax.ShapeDtypeStruct((_ROWS, _WIDTH, 8), jnp.float32),
        ),
        scratch_types=[
            pltpu.VMEM((_A_PAD // 128, 128), jnp.float32),
            pltpu.VMEM((256 * _L,), jnp.int32),
            pltpu.VMEM((_WIDTH,), jnp.float32),
            pltpu.VMEM((_WIDTH,), jnp.int32),
            pltpu.VMEM((_WIDTH, 8), jnp.float32),
            pltpu.SemaphoreType.DMA,
        ],
        compiler_params=pltpu.CompilerParams(
            needs_layout_passes=False, use_tc_tiling_on_sc=False),
    )(scores_rows, table)



_OUT_LANES = 128


def _nms_body(sc_ref, x1_ref, y1_ref, x2_ref, y2_ref,
              osc_ref, ox1_ref, oy1_ref, ox2_ref, oy2_ref):
    rows, lanes = sc_ref.shape
    sc0 = sc_ref[:]
    x1 = x1_ref[:]
    y1 = y1_ref[:]
    x2 = x2_ref[:]
    y2 = y2_ref[:]
    sc0 = jnp.where(sc0 > _CONF_THR, sc0, -1.0)
    a2 = (x2 - x1) * (y2 - y1)
    lane_iota = jax.lax.broadcasted_iota(jnp.int32, (rows, lanes), 1)
    col_iota = jax.lax.broadcasted_iota(jnp.int32, (rows, _OUT_LANES), 1)
    zeros_out = jnp.zeros((rows, _OUT_LANES), jnp.float32)

    def step(t, carry):
        sc, osc, ox1, oy1, ox2, oy2 = carry
        m = jnp.max(sc, axis=1, keepdims=True)
        keep = m > 0.0
        j = jnp.min(jnp.where(sc == m, lane_iota, jnp.int32(1 << 30)),
                    axis=1, keepdims=True)
        oh = lane_iota == j
        bx1 = jnp.sum(jnp.where(oh, x1, 0.0), axis=1, keepdims=True)
        by1 = jnp.sum(jnp.where(oh, y1, 0.0), axis=1, keepdims=True)
        bx2 = jnp.sum(jnp.where(oh, x2, 0.0), axis=1, keepdims=True)
        by2 = jnp.sum(jnp.where(oh, y2, 0.0), axis=1, keepdims=True)
        a1 = (bx2 - bx1) * (by2 - by1)
        ltx = jnp.maximum(bx1, x1)
        lty = jnp.maximum(by1, y1)
        rbx = jnp.minimum(bx2, x2)
        rby = jnp.minimum(by2, y2)
        w = jnp.maximum(rbx - ltx, 0.0)
        h = jnp.maximum(rby - lty, 0.0)
        inter = w * h
        iou = inter / (a1 + a2 - inter + 1e-8)
        supp = (iou > _IOU_THR) | oh
        sc = jnp.where(supp, -1.0, sc)
        col = col_iota == t
        osc = osc + jnp.where(col, jnp.where(keep, m, -1.0), 0.0)
        ox1 = ox1 + jnp.where(col, jnp.where(keep, bx1, 0.0), 0.0)
        oy1 = oy1 + jnp.where(col, jnp.where(keep, by1, 0.0), 0.0)
        ox2 = ox2 + jnp.where(col, jnp.where(keep, bx2, 0.0), 0.0)
        oy2 = oy2 + jnp.where(col, jnp.where(keep, by2, 0.0), 0.0)
        return sc, osc, ox1, oy1, ox2, oy2

    carry = (sc0, zeros_out, zeros_out, zeros_out, zeros_out, zeros_out)
    _, osc, ox1, oy1, ox2, oy2 = jax.lax.fori_loop(
        0, _MAX_PER_CLASS, step, carry)
    osc_ref[:] = osc
    ox1_ref[:] = ox1
    oy1_ref[:] = oy1
    ox2_ref[:] = ox2
    oy2_ref[:] = oy2


def _run_nms(scores, bx1, by1, bx2, by2):
    rows = scores.shape[0]
    out_sds = jax.ShapeDtypeStruct((rows, _OUT_LANES), jnp.float32)
    return pl.pallas_call(
        _nms_body,
        out_shape=(out_sds,) * 5,
    )(scores, bx1, by1, bx2, by2)



def _anchor_dims_np():
    import numpy as np
    ratios = [0.5, 1.0, 2.0]
    scales = [2.0 ** 0.0, 2.0 ** (1.0 / 3.0), 2.0 ** (2.0 / 3.0)]
    dims_all = []
    for area in [32.0 ** 2, 64.0 ** 2, 128.0 ** 2, 256.0 ** 2, 512.0 ** 2]:
        dims = []
        for r in ratios:
            h = np.sqrt(area / r)
            w = area / h
            for s in scales:
                dims.append([s * w, s * h])
        dims_all.append(np.array(dims, np.float32))
    return dims_all


def _get_anchors_np(H, W):
    import numpy as np
    strides = [2 ** i for i in range(3, 8)]
    dims_all = _anchor_dims_np()
    out = []
    for lvl in range(5):
        fh = int(np.ceil(H / strides[lvl]))
        fw = int(np.ceil(W / strides[lvl]))
        rx = (np.arange(fw, dtype=np.float32) + 0.5) * strides[lvl]
        ry = (np.arange(fh, dtype=np.float32) + 0.5) * strides[lvl]
        cx, cy = np.meshgrid(rx, ry)
        centers = np.tile(np.stack([cx, cy], -1)[:, :, None, :], [1, 1, 9, 1])
        dims = np.tile(dims_all[lvl][None, None, :, :], [fh, fw, 1, 1])
        out.append(np.concatenate([centers, dims], -1).reshape(-1, 4))
    return np.concatenate(out, 0)



@jax.jit
def kernel(images, predictions):
    H, W = images.shape[1], images.shape[2]
    anchors = jnp.asarray(_get_anchors_np(H, W))
    B = predictions.shape[0]

    box_preds = predictions[..., :4]
    cls_scores = jax.nn.sigmoid(predictions[..., 4:])
    sc_rows_full = jnp.transpose(cls_scores, (0, 2, 1)).reshape(_ROWS, _A)
    sc_rows_full = jnp.pad(sc_rows_full, ((0, 0), (0, _A_PAD - _A)))
    sc_rows_full = sc_rows_full.reshape(_ROWS, _A_PAD // 128, 128)

    table = jnp.concatenate(
        [box_preds, jnp.broadcast_to(anchors[None], (B, _A, 4))],
        axis=-1).reshape(B * _A, 8)

    cand_s, cand_bp = _sc_select(sc_rows_full, table)
    bp = cand_bp[..., :4].reshape(B, _NUM_CLASSES, _WIDTH, 4)
    an = cand_bp[..., 4:].reshape(B, _NUM_CLASSES, _WIDTH, 4)
    bvar = jnp.asarray([0.1, 0.1, 0.2, 0.2], jnp.float32)
    b = bp * bvar
    cxcy = b[..., :2] * an[..., 2:] + an[..., :2]
    wh = jnp.exp(b[..., 2:]) * an[..., 2:]
    boxes = jnp.concatenate([cxcy - wh / 2.0, cxcy + wh / 2.0], axis=-1)

    coords = boxes.reshape(_ROWS, _WIDTH, 4)
    bx1 = coords[:, :, 0]
    by1 = coords[:, :, 1]
    bx2 = coords[:, :, 2]
    by2 = coords[:, :, 3]

    osc, ox1, oy1, ox2, oy2 = _run_nms(cand_s, bx1, by1, bx2, by2)

    fs = osc[:, :_MAX_PER_CLASS].reshape(B, -1)
    fb = jnp.stack([ox1, oy1, ox2, oy2], axis=-1)[:, :_MAX_PER_CLASS, :]
    fb = fb.reshape(B, _NUM_CLASSES * _MAX_PER_CLASS, 4)

    ts, ti = jax.lax.top_k(fs, _MAX_DET)
    sel_b = jnp.take_along_axis(fb, ti[..., None], axis=1)
    sel_c = (ti // _MAX_PER_CLASS).astype(jnp.float32)
    mask = ts > 0.0
    ts_out = jnp.where(mask, ts, 0.0)
    sel_b = jnp.where(mask[..., None], sel_b, 0.0)
    sel_c = jnp.where(mask, sel_c, 0.0)
    valid = jnp.sum(mask.astype(jnp.int32), axis=1)
    return sel_b, ts_out, sel_c, valid

# --- scband reference (transcript-rebuilt; emitter-appended) ---
"""Pipeline reference for scband-decode-predictions-72344429134389 (READ-ONLY COPY).

The authoritative reference and input builder live on the scoring server;
editing this copy changes nothing except your own understanding.
"""

import jax, jax.numpy as jnp
import numpy as np

NUM_CLASSES = 80
CONF_THR = 0.05
IOU_THR = 0.5
MAX_PER_CLASS = 100
MAX_DET = 100
BOX_VAR = np.array([0.1, 0.1, 0.2, 0.2], np.float32)
PRE_TOPK = 1000


def _anchor_dims():
    ratios = [0.5, 1.0, 2.0]
    scales = [2.0 ** 0.0, 2.0 ** (1.0 / 3.0), 2.0 ** (2.0 / 3.0)]
    dims_all = []
    for area in [32.0 ** 2, 64.0 ** 2, 128.0 ** 2, 256.0 ** 2, 512.0 ** 2]:
        dims = []
        for r in ratios:
            h = np.sqrt(area / r)
            w = area / h
            for s in scales:
                dims.append([s * w, s * h])
        dims_all.append(np.array(dims, np.float32))
    return dims_all


def get_anchors(H, W):
    strides = [2 ** i for i in range(3, 8)]
    dims_all = _anchor_dims()
    out = []
    for lvl in range(5):
        fh = int(np.ceil(H / strides[lvl]))
        fw = int(np.ceil(W / strides[lvl]))
        rx = (np.arange(fw, dtype=np.float32) + 0.5) * strides[lvl]
        ry = (np.arange(fh, dtype=np.float32) + 0.5) * strides[lvl]
        cx, cy = np.meshgrid(rx, ry)
        centers = np.tile(np.stack([cx, cy], -1)[:, :, None, :], [1, 1, 9, 1])
        dims = np.tile(dims_all[lvl][None, None, :, :], [fh, fw, 1, 1])
        out.append(np.concatenate([centers, dims], -1).reshape(-1, 4))
    return jnp.asarray(np.concatenate(out, 0))


def decode_boxes(anchors, box_preds):
    b = box_preds * jnp.asarray(BOX_VAR)
    cxcy = b[..., :2] * anchors[..., 2:] + anchors[..., :2]
    wh = jnp.exp(b[..., 2:]) * anchors[..., 2:]
    return jnp.concatenate([cxcy - wh / 2.0, cxcy + wh / 2.0], axis=-1)


def _iou_one_to_many(box, boxes):
    lt = jnp.maximum(box[:2], boxes[:, :2])
    rb = jnp.minimum(box[2:], boxes[:, 2:])
    wh = jnp.maximum(rb - lt, 0.0)
    inter = wh[:, 0] * wh[:, 1]
    a1 = (box[2] - box[0]) * (box[3] - box[1])
    a2 = (boxes[:, 2] - boxes[:, 0]) * (boxes[:, 3] - boxes[:, 1])
    return inter / (a1 + a2 - inter + 1e-8)


def nms_class(boxes, scores):
    k = min(PRE_TOPK, scores.shape[0])
    sc, idx = jax.lax.top_k(scores, k)
    bx = jnp.take(boxes, idx, axis=0)
    sc = jnp.where(sc > CONF_THR, sc, -1.0)

    def step(sc_cur, _):
        j = jnp.argmax(sc_cur)
        s = sc_cur[j]
        b = bx[j]
        ious = _iou_one_to_many(b, bx)
        sc_new = jnp.where(ious > IOU_THR, -1.0, sc_cur)
        sc_new = sc_new.at[j].set(-1.0)
        keep = s > 0.0
        ob = jnp.where(keep, b, jnp.zeros((4,), b.dtype))
        os = jnp.where(keep, s, -1.0)
        return sc_new, (ob, os)

    _, (obs, oss) = jax.lax.scan(step, sc, None, length=MAX_PER_CLASS)
    return obs, oss


def decode_predictions(images, predictions):
    H, W = images.shape[1], images.shape[2]
    anchors = get_anchors(H, W)
    box_preds = predictions[..., :4]
    cls_preds = jax.nn.sigmoid(predictions[..., 4:])
    boxes = decode_boxes(anchors[None, :, :], box_preds)

    def per_image(bx, cs):
        cb, cscr = jax.vmap(lambda s: nms_class(bx, s), in_axes=1)(cs)
        cls_ids = jnp.tile(jnp.arange(NUM_CLASSES, dtype=jnp.float32)[:, None], [1, MAX_PER_CLASS])
        fb = cb.reshape(-1, 4)
        fs = cscr.reshape(-1)
        fc = cls_ids.reshape(-1)
        ts, ti = jax.lax.top_k(fs, MAX_DET)
        sel_b = jnp.take(fb, ti, axis=0)
        sel_c = jnp.take(fc, ti, axis=0)
        valid = jnp.sum((ts > 0.0).astype(jnp.int32))
        mask = ts > 0.0
        ts_out = jnp.where(mask, ts, 0.0)
        sel_b = jnp.where(mask[:, None], sel_b, 0.0)
        sel_c = jnp.where(mask, sel_c, 0.0)
        return sel_b, ts_out, sel_c, valid

    return jax.vmap(per_image)(boxes, cls_preds)


def setup_inputs(seed: int = 0):
    key = jax.random.key(seed)
    k1, k2 = jax.random.split(key)
    images = jax.random.normal(k1, (4, 512, 512, 3), dtype=jnp.float32)
    predictions = jax.random.normal(k2, (4, 49104, 84), dtype=jnp.float32)
    return {"images": images, "predictions": predictions}


def reference(images, predictions):
    return decode_predictions(images, predictions)

if __name__ == "__main__":
    import jax
    _d = setup_inputs()
    print(jax.jit(kernel)(*tuple(_d.values())))

</pallas_src>

<mosaic_0001>
#map = affine_map<(d0, d1) -> (0, 0, 0)>
#map1 = affine_map<(d0, d1) -> (0, 0)>
module attributes {stable_mosaic.version = 14 : i64} {
  func.func @_sc_select_body(%arg0: i32, %arg1: i32, %arg2: memref<320x384x128xf32, #tpu.memory_space<hbm>>, %arg3: memref<196416x8xf32, #tpu.memory_space<hbm>>, %arg4: memref<320x2048xf32, #tpu.memory_space<hbm>>, %arg5: memref<320x2048x8xf32, #tpu.memory_space<hbm>>, %arg6: memref<384x128xf32, #tpu.memory_space<vmem>>, %arg7: memref<4096xi32, #tpu.memory_space<vmem>>, %arg8: memref<2048xf32, #tpu.memory_space<vmem>>, %arg9: memref<2048xi32, #tpu.memory_space<vmem>>, %arg10: memref<2048x8xf32, #tpu.memory_space<vmem>>, %arg11: memref<!tpu.dma_semaphore, #tpu.memory_space<semaphore_mem>>) attributes {dimension_semantics = [#tpu.dimension_semantics<core_parallel>, #tpu.dimension_semantics<subcore_parallel>], iteration_bounds = array<i64: 2, 16>, scalar_prefetch = 0 : i64, scratch_operands = 6 : i64, tpu.core_type = #tpu.core_type<sc_vector_subcore>, window_params = [{transform_indices = #map}, {transform_indices = #map1}, {transform_indices = #map1}, {transform_indices = #map}]} {
    %mul3A = arith.constant 2 : i32
    %mul3A_0 = arith.muli %arg1, %mul3A : i32
    %add3A = arith.addi %mul3A_0, %arg0 : i32
    %iota3A = tpu.iota {dimensions = array<i32: 0>} : vector<16xi32>
    %broadcast_in_dim3A = arith.constant 1 : i32
    %broadcast_in_dim3A_1 = vector.broadcast %broadcast_in_dim3A : i32 to vector<16xi32>
    %scan3A = arith.constant 0 : i32
    %scan3A_2 = arith.constant 0 : i32
    %scan3A_3 = arith.constant 10 : i32
    %scan3A_4 = arith.addi %scan3A_2, %scan3A_3 : i32
    %scan3A_5 = arith.constant 1 : i32
    scf.for %scan3A_7 = %scan3A_2 to %scan3A_4 step %scan3A_5  : i32 {
      %mul3A_8 = arith.constant 10 : i32
      %mul3A_9 = arith.muli %add3A, %mul3A_8 : i32
      %add3A_10 = arith.addi %mul3A_9, %scan3A_7 : i32
      %jit3A = arith.constant 80 : i32
      %div3A = arith.divsi %add3A_10, %jit3A : i32
      %sign3A = arith.constant 0 : i32
      %sign3A_11 = arith.cmpi sgt, %add3A_10, %sign3A : i32
      %sign3A_12 = arith.extui %sign3A_11 : i1 to i32
      %sign3A_13 = arith.constant 0 : i32
      %sign3A_14 = arith.cmpi slt, %add3A_10, %sign3A_13 : i32
      %sign3A_15 = arith.extui %sign3A_14 : i1 to i32
      %sign3A_16 = arith.subi %sign3A_12, %sign3A_15 : i32
      %sign3A_17 = arith.constant 0 : i32
      %sign3A_18 = arith.cmpi sgt, %jit3A, %sign3A_17 : i32
      %sign3A_19 = arith.extui %sign3A_18 : i1 to i32
      %sign3A_20 = arith.constant 0 : i32
      %sign3A_21 = arith.cmpi slt, %jit3A, %sign3A_20 : i32
      %sign3A_22 = arith.extui %sign3A_21 : i1 to i32
      %sign3A_23 = arith.subi %sign3A_19, %sign3A_22 : i32
      %ne3A = arith.cmpi ne, %sign3A_16, %sign3A_23 : i32
      %rem3A = arith.remsi %add3A_10, %jit3A : i32
      %ne3A_24 = arith.constant 0 : i32
      %ne3A_25 = arith.cmpi ne, %rem3A, %ne3A_24 : i32
      %and3A = arith.andi %ne3A, %ne3A_25 : i1
      %sub3A = arith.constant 1 : i32
      %sub3A_26 = arith.subi %div3A, %sub3A : i32
      %select_n3A = arith.select %and3A, %sub3A_26, %div3A : i32
      %mul3A_27 = arith.constant 49104 : i32
      %mul3A_28 = arith.muli %select_n3A, %mul3A_27 : i32
      "tpu.region"() ({
        %run_scoped3A = tpu.sem_alloc : memref<!tpu.dma_semaphore, #tpu.memory_space<semaphore_mem>>
        %dma_start3A_142 = arith.constant 0 : i32
        %dma_start3A_143 = arith.constant 0 : i32
        %dma_start3A_144 = tpu.memref_slice %arg2[%add3A_10, %dma_start3A_142, %dma_start3A_143] : memref<320x384x128xf32, #tpu.memory_space<hbm>> -> memref<1x384x128xf32, #tpu.memory_space<hbm>>
        %dma_start3A_145 = tpu.memref_squeeze %dma_start3A_144 : memref<1x384x128xf32, #tpu.memory_space<hbm>> -> memref<384x128xf32, #tpu.memory_space<hbm>>
        %dma_start3A_146 = arith.constant 0 : i32
        %dma_start3A_147 = arith.constant 0 : i32
        %dma_start3A_148 = tpu.memref_slice %arg2[%add3A_10, %dma_start3A_146, %dma_start3A_147] : memref<320x384x128xf32, #tpu.memory_space<hbm>> -> memref<1x384x128xf32, #tpu.memory_space<hbm>>
        %dma_start3A_149 = tpu.memref_squeeze %dma_start3A_148 : memref<1x384x128xf32, #tpu.memory_space<hbm>> -> memref<384x128xf32, #tpu.memory_space<hbm>>
        tpu.enqueue_dma source(%dma_start3A_149 : memref<384x128xf32, #tpu.memory_space<hbm>>) target(%arg6 : memref<384x128xf32, #tpu.memory_space<vmem>>) target_semaphore(%run_scoped3A : memref<!tpu.dma_semaphore, #tpu.memory_space<semaphore_mem>>)
        %dma_wait3A_150 = arith.constant 0 : i32
        %dma_wait3A_151 = arith.constant 0 : i32
        %dma_wait3A_152 = tpu.memref_slice %arg2[%add3A_10, %dma_wait3A_150, %dma_wait3A_151] : memref<320x384x128xf32, #tpu.memory_space<hbm>> -> memref<1x384x128xf32, #tpu.memory_space<hbm>>
        %dma_wait3A_153 = tpu.memref_squeeze %dma_wait3A_152 : memref<1x384x128xf32, #tpu.memory_space<hbm>> -> memref<384x128xf32, #tpu.memory_space<hbm>>
        %dma_wait3A_154 = arith.constant 0 : i32
        %dma_wait3A_155 = arith.constant 0 : i32
        %dma_wait3A_156 = tpu.memref_slice %arg2[%add3A_10, %dma_wait3A_154, %dma_wait3A_155] : memref<320x384x128xf32, #tpu.memory_space<hbm>> -> memref<1x384x128xf32, #tpu.memory_space<hbm>>
        %dma_wait3A_157 = tpu.memref_squeeze %dma_wait3A_156 : memref<1x384x128xf32, #tpu.memory_space<hbm>> -> memref<384x128xf32, #tpu.memory_space<hbm>>
        tpu.wait_dma2 semaphore(%run_scoped3A : memref<!tpu.dma_semaphore, #tpu.memory_space<semaphore_mem>>) src(%dma_wait3A_157 : memref<384x128xf32, #tpu.memory_space<hbm>>) dst(%arg6 : memref<384x128xf32, #tpu.memory_space<vmem>>)
        tpu.yield
      }) : () -> ()
      %scan3A_29 = arith.constant 0 : i32
      %scan3A_30 = arith.constant 0 : i32
      %scan3A_31 = arith.constant 256 : i32
      %scan3A_32 = arith.addi %scan3A_30, %scan3A_31 : i32
      %scan3A_33 = arith.constant 1 : i32
      scf.for %scan3A_142 = %scan3A_30 to %scan3A_32 step %scan3A_33  : i32 {
        %broadcast_in_dim3A_143 = arith.constant 0 : i32
        %broadcast_in_dim3A_144 = vector.broadcast %broadcast_in_dim3A_143 : i32 to vector<16xi32>
        %mul3A_145 = arith.constant 16 : i32
        %mul3A_146 = arith.muli %scan3A_142, %mul3A_145 : i32
        %swap3A = arith.index_cast %mul3A_146 : i32 to index
        %swap3A_147 = tpu.vector_load %arg7[%swap3A] {strides = array<i32>} : memref<4096xi32, #tpu.memory_space<vmem>>, vector<16xi32>,
        tpu.vector_store %arg7[%swap3A], %broadcast_in_dim3A_144 {strides = array<i32>} : memref<4096xi32, #tpu.memory_space<vmem>>, vector<16xi32>,
      }
      %scan3A_34 = arith.constant 256 : i32
      %parallel_loop3A = arith.constant 0 : i32
      %parallel_loop3A_35 = arith.constant 3072 : i32
      %parallel_loop3A_36 = arith.constant 1 : i32
      %parallel_loop3A_37 = arith.constant 0 : i32
      scf.for %parallel_loop3A_142 = %parallel_loop3A to %parallel_loop3A_35 step %parallel_loop3A_36  : i32 {
        %parallel_loop3A_143 = arith.constant 3 : i32
        %parallel_loop3A_144 = arith.shrsi %parallel_loop3A_142, %parallel_loop3A_143 : i32
        %parallel_loop3A_145 = arith.constant 7 : i32
        %parallel_loop3A_146 = arith.andi %parallel_loop3A_142, %parallel_loop3A_145 : i32
        %parallel_loop3A_147 = arith.constant 16 : i32
        %parallel_loop3A_148 = arith.muli %parallel_loop3A_146, %parallel_loop3A_147 : i32
        %parallel_loop3A_149 = arith.index_cast %parallel_loop3A_144 : i32 to index
        %parallel_loop3A_150 = arith.index_cast %parallel_loop3A_148 : i32 to index
        %parallel_loop3A_151 = tpu.vector_load %arg6[%parallel_loop3A_149, %parallel_loop3A_150] {strides = array<i32>} : memref<384x128xf32, #tpu.memory_space<vmem>>, vector<16xf32>,
        %parallel_loop3A_152 = tpu.bitcast %parallel_loop3A_151 : vector<16xf32> -> vector<16xi32>
        %parallel_loop3A_153 = arith.constant 24 : i32
        %parallel_loop3A_154 = vector.broadcast %parallel_loop3A_153 : i32 to vector<16xi32>
        %parallel_loop3A_155 = arith.shrui %parallel_loop3A_152, %parallel_loop3A_154 : vector<16xi32>
        %parallel_loop3A_156 = arith.constant 255 : i32
        %parallel_loop3A_157 = vector.broadcast %parallel_loop3A_156 : i32 to vector<16xi32>
        %parallel_loop3A_158 = arith.andi %parallel_loop3A_155, %parallel_loop3A_157 : vector<16xi32>
        %parallel_loop3A_159 = arith.constant 8 : i32
        %parallel_loop3A_160 = vector.broadcast %parallel_loop3A_159 : i32 to vector<16xi32>
        %parallel_loop3A_161 = arith.shrui %parallel_loop3A_155, %parallel_loop3A_160 : vector<16xi32>
        %parallel_loop3A_162 = vector.broadcast %parallel_loop3A_37 : i32 to vector<16xi32>
        %parallel_loop3A_163 = arith.cmpi eq, %parallel_loop3A_161, %parallel_loop3A_162 : vector<16xi32>
        %parallel_loop3A_164 = arith.constant 4 : i32
        %parallel_loop3A_165 = vector.broadcast %parallel_loop3A_164 : i32 to vector<16xi32>
        %parallel_loop3A_166 = arith.shli %parallel_loop3A_158, %parallel_loop3A_165 : vector<16xi32>
        %parallel_loop3A_167 = arith.ori %parallel_loop3A_166, %iota3A : vector<16xi32>
        tpu.vector_store_idx %arg7[%parallel_loop3A_167], %broadcast_in_dim3A_1 masked %parallel_loop3A_163 {add = true} : memref<4096xi32, #tpu.memory_space<vmem>>[vector<16xi32>], vector<16xi32>, vector<16xi1>
      } {sc.loop_unroll_factor = 8 : i64, sc.parallel_access}
      %scan3A_38 = arith.constant 0 : i32
      %scan3A_39 = arith.constant 0 : i32
      %scan3A_40 = arith.constant -1 : i32
      %scan3A_41 = arith.constant 0 : i32
      %scan3A_42 = arith.constant 0 : i32
      %scan3A_43 = arith.constant 256 : i32
      %scan3A_44 = arith.addi %scan3A_42, %scan3A_43 : i32
      %scan3A_45 = arith.constant 1 : i32
      %scan3A_46:3 = scf.for %scan3A_142 = %scan3A_42 to %scan3A_44 step %scan3A_45 iter_args(%scan3A_143 = %scan3A_39, %scan3A_144 = %scan3A_40, %scan3A_145 = %scan3A_41) -> (i32, i32, i32)  : i32 {
        %sub3A_146 = arith.constant 255 : i32
        %sub3A_147 = arith.subi %sub3A_146, %scan3A_142 : i32
        %mul3A_148 = arith.constant 16 : i32
        %mul3A_149 = arith.muli %sub3A_147, %mul3A_148 : i32
        %get3A = arith.index_cast %mul3A_149 : i32 to index
        %get3A_150 = tpu.vector_load %arg7[%get3A] {strides = array<i32>} : memref<4096xi32, #tpu.memory_space<vmem>>, vector<16xi32>,
        %reduce_sum3A = arith.constant true
        %reduce_sum3A_151 = vector.broadcast %reduce_sum3A : i1 to vector<16xi1>
        %reduce_sum3A_152 = tpu.scan <sum>, %get3A_150 masked %reduce_sum3A_151 : vector<16xi32>, vector<16xi1> -> vector<16xi32>
        %reduce_sum3A_153 = vector.extract %reduce_sum3A_152[15] : i32 from vector<16xi32>
        %lt3A = arith.constant 0 : i32
        %lt3A_154 = arith.cmpi slt, %scan3A_144, %lt3A : i32
        %add3A_155 = arith.addi %scan3A_38, %scan3A_143 : i32
        %add3A_156 = arith.addi %add3A_155, %reduce_sum3A_153 : i32
        %ge3A = arith.constant 1000 : i32
        %ge3A_157 = arith.cmpi sge, %add3A_156, %ge3A : i32
        %and3A_158 = arith.andi %lt3A_154, %ge3A_157 : i1
        %select_n3A_159 = arith.select %and3A_158, %sub3A_147, %scan3A_144 : i32
        %select_n3A_160 = arith.select %and3A_158, %scan3A_143, %scan3A_145 : i32
        %not3A = arith.constant true
        %not3A_161 = arith.xori %and3A_158, %not3A : i1
        %and3A_162 = arith.andi %lt3A_154, %not3A_161 : i1
        %add3A_163 = arith.addi %scan3A_143, %reduce_sum3A_153 : i32
        %select_n3A_164 = arith.select %and3A_162, %add3A_163, %scan3A_143 : i32
        scf.yield %select_n3A_164, %select_n3A_159, %select_n3A_160 : i32, i32, i32
      }
      %scan3A_47 = arith.constant 256 : i32
      %shift_left3A = arith.constant 0 : i32
      %shift_left3A_48 = arith.constant 8 : i32
      %shift_left3A_49 = arith.shli %shift_left3A, %shift_left3A_48 : i32
      %or3A = arith.ori %shift_left3A_49, %scan3A_46#1 : i32
      %add3A_50 = arith.constant 0 : i32
      %add3A_51 = arith.addi %add3A_50, %scan3A_46#2 : i32
      %scan3A_52 = arith.constant 0 : i32
      %scan3A_53 = arith.constant 0 : i32
      %scan3A_54 = arith.constant 256 : i32
      %scan3A_55 = arith.addi %scan3A_53, %scan3A_54 : i32
      %scan3A_56 = arith.constant 1 : i32
      scf.for %scan3A_142 = %scan3A_53 to %scan3A_55 step %scan3A_56  : i32 {
        %broadcast_in_dim3A_143 = arith.constant 0 : i32
        %broadcast_in_dim3A_144 = vector.broadcast %broadcast_in_dim3A_143 : i32 to vector<16xi32>
        %mul3A_145 = arith.constant 16 : i32
        %mul3A_146 = arith.muli %scan3A_142, %mul3A_145 : i32
        %swap3A = arith.index_cast %mul3A_146 : i32 to index
        %swap3A_147 = tpu.vector_load %arg7[%swap3A] {strides = array<i32>} : memref<4096xi32, #tpu.memory_space<vmem>>, vector<16xi32>,
        tpu.vector_store %arg7[%swap3A], %broadcast_in_dim3A_144 {strides = array<i32>} : memref<4096xi32, #tpu.memory_space<vmem>>, vector<16xi32>,
      }
      %scan3A_57 = arith.constant 256 : i32
      %parallel_loop3A_58 = arith.constant 0 : i32
      %parallel_loop3A_59 = arith.constant 3072 : i32
      %parallel_loop3A_60 = arith.constant 1 : i32
      scf.for %parallel_loop3A_142 = %parallel_loop3A_58 to %parallel_loop3A_59 step %parallel_loop3A_60  : i32 {
        %parallel_loop3A_143 = arith.constant 3 : i32
        %parallel_loop3A_144 = arith.shrsi %parallel_loop3A_142, %parallel_loop3A_143 : i32
        %parallel_loop3A_145 = arith.constant 7 : i32
        %parallel_loop3A_146 = arith.andi %parallel_loop3A_142, %parallel_loop3A_145 : i32
        %parallel_loop3A_147 = arith.constant 16 : i32
        %parallel_loop3A_148 = arith.muli %parallel_loop3A_146, %parallel_loop3A_147 : i32
        %parallel_loop3A_149 = arith.index_cast %parallel_loop3A_144 : i32 to index
        %parallel_loop3A_150 = arith.index_cast %parallel_loop3A_148 : i32 to index
        %parallel_loop3A_151 = tpu.vector_load %arg6[%parallel_loop3A_149, %parallel_loop3A_150] {strides = array<i32>} : memref<384x128xf32, #tpu.memory_space<vmem>>, vector<16xf32>,
        %parallel_loop3A_152 = tpu.bitcast %parallel_loop3A_151 : vector<16xf32> -> vector<16xi32>
        %parallel_loop3A_153 = arith.constant 16 : i32
        %parallel_loop3A_154 = vector.broadcast %parallel_loop3A_153 : i32 to vector<16xi32>
        %parallel_loop3A_155 = arith.shrui %parallel_loop3A_152, %parallel_loop3A_154 : vector<16xi32>
        %parallel_loop3A_156 = arith.constant 255 : i32
        %parallel_loop3A_157 = vector.broadcast %parallel_loop3A_156 : i32 to vector<16xi32>
        %parallel_loop3A_158 = arith.andi %parallel_loop3A_155, %parallel_loop3A_157 : vector<16xi32>
        %parallel_loop3A_159 = arith.constant 8 : i32
        %parallel_loop3A_160 = vector.broadcast %parallel_loop3A_159 : i32 to vector<16xi32>
        %parallel_loop3A_161 = arith.shrui %parallel_loop3A_155, %parallel_loop3A_160 : vector<16xi32>
        %parallel_loop3A_162 = vector.broadcast %or3A : i32 to vector<16xi32>
        %parallel_loop3A_163 = arith.cmpi eq, %parallel_loop3A_161, %parallel_loop3A_162 : vector<16xi32>
        %parallel_loop3A_164 = arith.constant 4 : i32
        %parallel_loop3A_165 = vector.broadcast %parallel_loop3A_164 : i32 to vector<16xi32>
        %parallel_loop3A_166 = arith.shli %parallel_loop3A_158, %parallel_loop3A_165 : vector<16xi32>
        %parallel_loop3A_167 = arith.ori %parallel_loop3A_166, %iota3A : vector<16xi32>
        tpu.vector_store_idx %arg7[%parallel_loop3A_167], %broadcast_in_dim3A_1 masked %parallel_loop3A_163 {add = true} : memref<4096xi32, #tpu.memory_space<vmem>>[vector<16xi32>], vector<16xi32>, vector<16xi1>
      } {sc.loop_unroll_factor = 8 : i64, sc.parallel_access}
      %scan3A_61 = arith.constant 0 : i32
      %scan3A_62 = arith.constant -1 : i32
      %scan3A_63 = arith.constant 0 : i32
      %scan3A_64 = arith.constant 0 : i32
      %scan3A_65 = arith.constant 256 : i32
      %scan3A_66 = arith.addi %scan3A_64, %scan3A_65 : i32
      %scan3A_67 = arith.constant 1 : i32
      %scan3A_68:3 = scf.for %scan3A_142 = %scan3A_64 to %scan3A_66 step %scan3A_67 iter_args(%scan3A_143 = %scan3A_61, %scan3A_144 = %scan3A_62, %scan3A_145 = %scan3A_63) -> (i32, i32, i32)  : i32 {
        %sub3A_146 = arith.constant 255 : i32
        %sub3A_147 = arith.subi %sub3A_146, %scan3A_142 : i32
        %mul3A_148 = arith.constant 16 : i32
        %mul3A_149 = arith.muli %sub3A_147, %mul3A_148 : i32
        %get3A = arith.index_cast %mul3A_149 : i32 to index
        %get3A_150 = tpu.vector_load %arg7[%get3A] {strides = array<i32>} : memref<4096xi32, #tpu.memory_space<vmem>>, vector<16xi32>,
        %reduce_sum3A = arith.constant true
        %reduce_sum3A_151 = vector.broadcast %reduce_sum3A : i1 to vector<16xi1>
        %reduce_sum3A_152 = tpu.scan <sum>, %get3A_150 masked %reduce_sum3A_151 : vector<16xi32>, vector<16xi1> -> vector<16xi32>
        %reduce_sum3A_153 = vector.extract %reduce_sum3A_152[15] : i32 from vector<16xi32>
        %lt3A = arith.constant 0 : i32
        %lt3A_154 = arith.cmpi slt, %scan3A_144, %lt3A : i32
        %add3A_155 = arith.addi %add3A_51, %scan3A_143 : i32
        %add3A_156 = arith.addi %add3A_155, %reduce_sum3A_153 : i32
        %ge3A = arith.constant 1000 : i32
        %ge3A_157 = arith.cmpi sge, %add3A_156, %ge3A : i32
        %and3A_158 = arith.andi %lt3A_154, %ge3A_157 : i1
        %select_n3A_159 = arith.select %and3A_158, %sub3A_147, %scan3A_144 : i32
        %select_n3A_160 = arith.select %and3A_158, %scan3A_143, %scan3A_145 : i32
        %not3A = arith.constant true
        %not3A_161 = arith.xori %and3A_158, %not3A : i1
        %and3A_162 = arith.andi %lt3A_154, %not3A_161 : i1
        %add3A_163 = arith.addi %scan3A_143, %reduce_sum3A_153 : i32
        %select_n3A_164 = arith.select %and3A_162, %add3A_163, %scan3A_143 : i32
        scf.yield %select_n3A_164, %select_n3A_159, %select_n3A_160 : i32, i32, i32
      }
      %scan3A_69 = arith.constant 256 : i32
      %shift_left3A_70 = arith.constant 8 : i32
      %shift_left3A_71 = arith.shli %or3A, %shift_left3A_70 : i32
      %or3A_72 = arith.ori %shift_left3A_71, %scan3A_68#1 : i32
      %add3A_73 = arith.addi %add3A_51, %scan3A_68#2 : i32
      %scan3A_74 = arith.constant 0 : i32
      %scan3A_75 = arith.constant 0 : i32
      %scan3A_76 = arith.constant 256 : i32
      %scan3A_77 = arith.addi %scan3A_75, %scan3A_76 : i32
      %scan3A_78 = arith.constant 1 : i32
      scf.for %scan3A_142 = %scan3A_75 to %scan3A_77 step %scan3A_78  : i32 {
        %broadcast_in_dim3A_143 = arith.constant 0 : i32
        %broadcast_in_dim3A_144 = vector.broadcast %broadcast_in_dim3A_143 : i32 to vector<16xi32>
        %mul3A_145 = arith.constant 16 : i32
        %mul3A_146 = arith.muli %scan3A_142, %mul3A_145 : i32
        %swap3A = arith.index_cast %mul3A_146 : i32 to index
        %swap3A_147 = tpu.vector_load %arg7[%swap3A] {strides = array<i32>} : memref<4096xi32, #tpu.memory_space<vmem>>, vector<16xi32>,
        tpu.vector_store %arg7[%swap3A], %broadcast_in_dim3A_144 {strides = array<i32>} : memref<4096xi32, #tpu.memory_space<vmem>>, vector<16xi32>,
      }
      %scan3A_79 = arith.constant 256 : i32
      %parallel_loop3A_80 = arith.constant 0 : i32
      %parallel_loop3A_81 = arith.constant 3072 : i32
      %parallel_loop3A_82 = arith.constant 1 : i32
      scf.for %parallel_loop3A_142 = %parallel_loop3A_80 to %parallel_loop3A_81 step %parallel_loop3A_82  : i32 {
        %parallel_loop3A_143 = arith.constant 3 : i32
        %parallel_loop3A_144 = arith.shrsi %parallel_loop3A_142, %parallel_loop3A_143 : i32
        %parallel_loop3A_145 = arith.constant 7 : i32
        %parallel_loop3A_146 = arith.andi %parallel_loop3A_142, %parallel_loop3A_145 : i32
        %parallel_loop3A_147 = arith.constant 16 : i32
        %parallel_loop3A_148 = arith.muli %parallel_loop3A_146, %parallel_loop3A_147 : i32
        %parallel_loop3A_149 = arith.index_cast %parallel_loop3A_144 : i32 to index
        %parallel_loop3A_150 = arith.index_cast %parallel_loop3A_148 : i32 to index
        %parallel_loop3A_151 = tpu.vector_load %arg6[%parallel_loop3A_149, %parallel_loop3A_150] {strides = array<i32>} : memref<384x128xf32, #tpu.memory_space<vmem>>, vector<16xf32>,
        %parallel_loop3A_152 = tpu.bitcast %parallel_loop3A_151 : vector<16xf32> -> vector<16xi32>
        %parallel_loop3A_153 = arith.constant 8 : i32
        %parallel_loop3A_154 = vector.broadcast %parallel_loop3A_153 : i32 to vector<16xi32>
        %parallel_loop3A_155 = arith.shrui %parallel_loop3A_152, %parallel_loop3A_154 : vector<16xi32>
        %parallel_loop3A_156 = arith.constant 255 : i32
        %parallel_loop3A_157 = vector.broadcast %parallel_loop3A_156 : i32 to vector<16xi32>
        %parallel_loop3A_158 = arith.andi %parallel_loop3A_155, %parallel_loop3A_157 : vector<16xi32>
        %parallel_loop3A_159 = arith.constant 8 : i32
        %parallel_loop3A_160 = vector.broadcast %parallel_loop3A_159 : i32 to vector<16xi32>
        %parallel_loop3A_161 = arith.shrui %parallel_loop3A_155, %parallel_loop3A_160 : vector<16xi32>
        %parallel_loop3A_162 = vector.broadcast %or3A_72 : i32 to vector<16xi32>
        %parallel_loop3A_163 = arith.cmpi eq, %parallel_loop3A_161, %parallel_loop3A_162 : vector<16xi32>
        %parallel_loop3A_164 = arith.constant 4 : i32
        %parallel_loop3A_165 = vector.broadcast %parallel_loop3A_164 : i32 to vector<16xi32>
        %parallel_loop3A_166 = arith.shli %parallel_loop3A_158, %parallel_loop3A_165 : vector<16xi32>
        %parallel_loop3A_167 = arith.ori %parallel_loop3A_166, %iota3A : vector<16xi32>
        tpu.vector_store_idx %arg7[%parallel_loop3A_167], %broadcast_in_dim3A_1 masked %parallel_loop3A_163 {add = true} : memref<4096xi32, #tpu.memory_space<vmem>>[vector<16xi32>], vector<16xi32>, vector<16xi1>
      } {sc.loop_unroll_factor = 8 : i64, sc.parallel_access}
      %scan3A_83 = arith.constant 0 : i32
      %scan3A_84 = arith.constant -1 : i32
      %scan3A_85 = arith.constant 0 : i32
      %scan3A_86 = arith.constant 0 : i32
      %scan3A_87 = arith.constant 256 : i32
      %scan3A_88 = arith.addi %scan3A_86, %scan3A_87 : i32
      %scan3A_89 = arith.constant 1 : i32
      %scan3A_90:3 = scf.for %scan3A_142 = %scan3A_86 to %scan3A_88 step %scan3A_89 iter_args(%scan3A_143 = %scan3A_83, %scan3A_144 = %scan3A_84, %scan3A_145 = %scan3A_85) -> (i32, i32, i32)  : i32 {
        %sub3A_146 = arith.constant 255 : i32
        %sub3A_147 = arith.subi %sub3A_146, %scan3A_142 : i32
        %mul3A_148 = arith.constant 16 : i32
        %mul3A_149 = arith.muli %sub3A_147, %mul3A_148 : i32
        %get3A = arith.index_cast %mul3A_149 : i32 to index
        %get3A_150 = tpu.vector_load %arg7[%get3A] {strides = array<i32>} : memref<4096xi32, #tpu.memory_space<vmem>>, vector<16xi32>,
        %reduce_sum3A = arith.constant true
        %reduce_sum3A_151 = vector.broadcast %reduce_sum3A : i1 to vector<16xi1>
        %reduce_sum3A_152 = tpu.scan <sum>, %get3A_150 masked %reduce_sum3A_151 : vector<16xi32>, vector<16xi1> -> vector<16xi32>
        %reduce_sum3A_153 = vector.extract %reduce_sum3A_152[15] : i32 from vector<16xi32>
        %lt3A = arith.constant 0 : i32
        %lt3A_154 = arith.cmpi slt, %scan3A_144, %lt3A : i32
        %add3A_155 = arith.addi %add3A_73, %scan3A_143 : i32
        %add3A_156 = arith.addi %add3A_155, %reduce_sum3A_153 : i32
        %ge3A = arith.constant 1000 : i32
        %ge3A_157 = arith.cmpi sge, %add3A_156, %ge3A : i32
        %and3A_158 = arith.andi %lt3A_154, %ge3A_157 : i1
        %select_n3A_159 = arith.select %and3A_158, %sub3A_147, %scan3A_144 : i32
        %select_n3A_160 = arith.select %and3A_158, %scan3A_143, %scan3A_145 : i32
        %not3A = arith.constant true
        %not3A_161 = arith.xori %and3A_158, %not3A : i1
        %and3A_162 = arith.andi %lt3A_154, %not3A_161 : i1
        %add3A_163 = arith.addi %scan3A_143, %reduce_sum3A_153 : i32
        %select_n3A_164 = arith.select %and3A_162, %add3A_163, %scan3A_143 : i32
        scf.yield %select_n3A_164, %select_n3A_159, %select_n3A_160 : i32, i32, i32
      }
      %scan3A_91 = arith.constant 256 : i32
      %shift_left3A_92 = arith.constant 8 : i32
      %shift_left3A_93 = arith.shli %or3A_72, %shift_left3A_92 : i32
      %or3A_94 = arith.ori %shift_left3A_93, %scan3A_90#1 : i32
      %add3A_95 = arith.addi %add3A_73, %scan3A_90#2 : i32
      %scan3A_96 = arith.constant 0 : i32
      %scan3A_97 = arith.constant 0 : i32
      %scan3A_98 = arith.constant 256 : i32
      %scan3A_99 = arith.addi %scan3A_97, %scan3A_98 : i32
      %scan3A_100 = arith.constant 1 : i32
      scf.for %scan3A_142 = %scan3A_97 to %scan3A_99 step %scan3A_100  : i32 {
        %broadcast_in_dim3A_143 = arith.constant 0 : i32
        %broadcast_in_dim3A_144 = vector.broadcast %broadcast_in_dim3A_143 : i32 to vector<16xi32>
        %mul3A_145 = arith.constant 16 : i32
        %mul3A_146 = arith.muli %scan3A_142, %mul3A_145 : i32
        %swap3A = arith.index_cast %mul3A_146 : i32 to index
        %swap3A_147 = tpu.vector_load %arg7[%swap3A] {strides = array<i32>} : memref<4096xi32, #tpu.memory_space<vmem>>, vector<16xi32>,
        tpu.vector_store %arg7[%swap3A], %broadcast_in_dim3A_144 {strides = array<i32>} : memref<4096xi32, #tpu.memory_space<vmem>>, vector<16xi32>,
      }
      %scan3A_101 = arith.constant 256 : i32
      %parallel_loop3A_102 = arith.constant 0 : i32
      %parallel_loop3A_103 = arith.constant 3072 : i32
      %parallel_loop3A_104 = arith.constant 1 : i32
      scf.for %parallel_loop3A_142 = %parallel_loop3A_102 to %parallel_loop3A_103 step %parallel_loop3A_104  : i32 {
        %parallel_loop3A_143 = arith.constant 3 : i32
        %parallel_loop3A_144 = arith.shrsi %parallel_loop3A_142, %parallel_loop3A_143 : i32
        %parallel_loop3A_145 = arith.constant 7 : i32
        %parallel_loop3A_146 = arith.andi %parallel_loop3A_142, %parallel_loop3A_145 : i32
        %parallel_loop3A_147 = arith.constant 16 : i32
        %parallel_loop3A_148 = arith.muli %parallel_loop3A_146, %parallel_loop3A_147 : i32
        %parallel_loop3A_149 = arith.index_cast %parallel_loop3A_144 : i32 to index
        %parallel_loop3A_150 = arith.index_cast %parallel_loop3A_148 : i32 to index
        %parallel_loop3A_151 = tpu.vector_load %arg6[%parallel_loop3A_149, %parallel_loop3A_150] {strides = array<i32>} : memref<384x128xf32, #tpu.memory_space<vmem>>, vector<16xf32>,
        %parallel_loop3A_152 = tpu.bitcast %parallel_loop3A_151 : vector<16xf32> -> vector<16xi32>
        %parallel_loop3A_153 = arith.constant 0 : i32
        %parallel_loop3A_154 = vector.broadcast %parallel_loop3A_153 : i32 to vector<16xi32>
        %parallel_loop3A_155 = arith.shrui %parallel_loop3A_152, %parallel_loop3A_154 : vector<16xi32>
        %parallel_loop3A_156 = arith.constant 255 : i32
        %parallel_loop3A_157 = vector.broadcast %parallel_loop3A_156 : i32 to vector<16xi32>
        %parallel_loop3A_158 = arith.andi %parallel_loop3A_155, %parallel_loop3A_157 : vector<16xi32>
        %parallel_loop3A_159 = arith.constant 8 : i32
        %parallel_loop3A_160 = vector.broadcast %parallel_loop3A_159 : i32 to vector<16xi32>
        %parallel_loop3A_161 = arith.shrui %parallel_loop3A_155, %parallel_loop3A_160 : vector<16xi32>
        %parallel_loop3A_162 = vector.broadcast %or3A_94 : i32 to vector<16xi32>
        %parallel_loop3A_163 = arith.cmpi eq, %parallel_loop3A_161, %parallel_loop3A_162 : vector<16xi32>
        %parallel_loop3A_164 = arith.constant 4 : i32
        %parallel_loop3A_165 = vector.broadcast %parallel_loop3A_164 : i32 to vector<16xi32>
        %parallel_loop3A_166 = arith.shli %parallel_loop3A_158, %parallel_loop3A_165 : vector<16xi32>
        %parallel_loop3A_167 = arith.ori %parallel_loop3A_166, %iota3A : vector<16xi32>
        tpu.vector_store_idx %arg7[%parallel_loop3A_167], %broadcast_in_dim3A_1 masked %parallel_loop3A_163 {add = true} : memref<4096xi32, #tpu.memory_space<vmem>>[vector<16xi32>], vector<16xi32>, vector<16xi1>
      } {sc.loop_unroll_factor = 8 : i64, sc.parallel_access}
      %scan3A_105 = arith.constant 0 : i32
      %scan3A_106 = arith.constant -1 : i32
      %scan3A_107 = arith.constant 0 : i32
      %scan3A_108 = arith.constant 0 : i32
      %scan3A_109 = arith.constant 256 : i32
      %scan3A_110 = arith.addi %scan3A_108, %scan3A_109 : i32
      %scan3A_111 = arith.constant 1 : i32
      %scan3A_112:3 = scf.for %scan3A_142 = %scan3A_108 to %scan3A_110 step %scan3A_111 iter_args(%scan3A_143 = %scan3A_105, %scan3A_144 = %scan3A_106, %scan3A_145 = %scan3A_107) -> (i32, i32, i32)  : i32 {
        %sub3A_146 = arith.constant 255 : i32
        %sub3A_147 = arith.subi %sub3A_146, %scan3A_142 : i32
        %mul3A_148 = arith.constant 16 : i32
        %mul3A_149 = arith.muli %sub3A_147, %mul3A_148 : i32
        %get3A = arith.index_cast %mul3A_149 : i32 to index
        %get3A_150 = tpu.vector_load %arg7[%get3A] {strides = array<i32>} : memref<4096xi32, #tpu.memory_space<vmem>>, vector<16xi32>,
        %reduce_sum3A = arith.constant true
        %reduce_sum3A_151 = vector.broadcast %reduce_sum3A : i1 to vector<16xi1>
        %reduce_sum3A_152 = tpu.scan <sum>, %get3A_150 masked %reduce_sum3A_151 : vector<16xi32>, vector<16xi1> -> vector<16xi32>
        %reduce_sum3A_153 = vector.extract %reduce_sum3A_152[15] : i32 from vector<16xi32>
        %lt3A = arith.constant 0 : i32
        %lt3A_154 = arith.cmpi slt, %scan3A_144, %lt3A : i32
        %add3A_155 = arith.addi %add3A_95, %scan3A_143 : i32
        %add3A_156 = arith.addi %add3A_155, %reduce_sum3A_153 : i32
        %ge3A = arith.constant 1000 : i32
        %ge3A_157 = arith.cmpi sge, %add3A_156, %ge3A : i32
        %and3A_158 = arith.andi %lt3A_154, %ge3A_157 : i1
        %select_n3A_159 = arith.select %and3A_158, %sub3A_147, %scan3A_144 : i32
        %select_n3A_160 = arith.select %and3A_158, %scan3A_143, %scan3A_145 : i32
        %not3A = arith.constant true
        %not3A_161 = arith.xori %and3A_158, %not3A : i1
        %and3A_162 = arith.andi %lt3A_154, %not3A_161 : i1
        %add3A_163 = arith.addi %scan3A_143, %reduce_sum3A_153 : i32
        %select_n3A_164 = arith.select %and3A_162, %add3A_163, %scan3A_143 : i32
        scf.yield %select_n3A_164, %select_n3A_159, %select_n3A_160 : i32, i32, i32
      }
      %scan3A_113 = arith.constant 256 : i32
      %shift_left3A_114 = arith.constant 8 : i32
      %shift_left3A_115 = arith.shli %or3A_94, %shift_left3A_114 : i32
      %or3A_116 = arith.ori %shift_left3A_115, %scan3A_112#1 : i32
      %add3A_117 = arith.addi %add3A_95, %scan3A_112#2 : i32
      %sub3A_118 = arith.constant 1000 : i32
      %sub3A_119 = arith.subi %sub3A_118, %add3A_117 : i32
      %scan3A_120 = arith.constant 0 : i32
      %scan3A_121 = arith.constant 0 : i32
      %scan3A_122 = arith.constant 128 : i32
      %scan3A_123 = arith.addi %scan3A_121, %scan3A_122 : i32
      %scan3A_124 = arith.constant 1 : i32
      scf.for %scan3A_142 = %scan3A_121 to %scan3A_123 step %scan3A_124  : i32 {
        %broadcast_in_dim3A_143 = arith.constant -1.000000e+00 : f32
        %broadcast_in_dim3A_144 = vector.broadcast %broadcast_in_dim3A_143 : f32 to vector<16xf32>
        %mul3A_145 = arith.constant 16 : i32
        %mul3A_146 = arith.muli %scan3A_142, %mul3A_145 : i32
        %swap3A = arith.index_cast %mul3A_146 : i32 to index
        %swap3A_147 = tpu.vector_load %arg8[%swap3A] {strides = array<i32>} : memref<2048xf32, #tpu.memory_space<vmem>>, vector<16xf32>,
        tpu.vector_store %arg8[%swap3A], %broadcast_in_dim3A_144 {strides = array<i32>} : memref<2048xf32, #tpu.memory_space<vmem>>, vector<16xf32>,
        %broadcast_in_dim3A_148 = vector.broadcast %mul3A_28 : i32 to vector<16xi32>
        %mul3A_149 = arith.constant 16 : i32
        %mul3A_150 = arith.muli %scan3A_142, %mul3A_149 : i32
        %swap3A_151 = arith.index_cast %mul3A_150 : i32 to index
        %swap3A_152 = tpu.vector_load %arg9[%swap3A_151] {strides = array<i32>} : memref<2048xi32, #tpu.memory_space<vmem>>, vector<16xi32>,
        tpu.vector_store %arg9[%swap3A_151], %broadcast_in_dim3A_148 {strides = array<i32>} : memref<2048xi32, #tpu.memory_space<vmem>>, vector<16xi32>,
      }
      %scan3A_125 = arith.constant 128 : i32
      %parallel_loop3A_126 = arith.constant 0 : i32
      %parallel_loop3A_127 = arith.constant 3072 : i32
      %parallel_loop3A_128 = arith.constant 1 : i32
      %parallel_loop3A_129 = arith.constant 0 : i32
      %parallel_loop3A_130 = arith.constant 0 : i32
      %parallel_loop3A_131:2 = scf.for %parallel_loop3A_142 = %parallel_loop3A_126 to %parallel_loop3A_127 step %parallel_loop3A_128 iter_args(%parallel_loop3A_143 = %parallel_loop3A_129, %parallel_loop3A_144 = %parallel_loop3A_130) -> (i32, i32)  : i32 {
        %parallel_loop3A_145 = arith.constant 3 : i32
        %parallel_loop3A_146 = arith.shrsi %parallel_loop3A_142, %parallel_loop3A_145 : i32
        %parallel_loop3A_147 = arith.constant 7 : i32
        %parallel_loop3A_148 = arith.andi %parallel_loop3A_142, %parallel_loop3A_147 : i32
        %parallel_loop3A_149 = arith.constant 16 : i32
        %parallel_loop3A_150 = arith.muli %parallel_loop3A_148, %parallel_loop3A_149 : i32
        %parallel_loop3A_151 = arith.index_cast %parallel_loop3A_146 : i32 to index
        %parallel_loop3A_152 = arith.index_cast %parallel_loop3A_150 : i32 to index
        %parallel_loop3A_153 = tpu.vector_load %arg6[%parallel_loop3A_151, %parallel_loop3A_152] {strides = array<i32>} : memref<384x128xf32, #tpu.memory_space<vmem>>, vector<16xf32>,
        %parallel_loop3A_154 = tpu.bitcast %parallel_loop3A_153 : vector<16xf32> -> vector<16xi32>
        %parallel_loop3A_155 = arith.constant 16 : i32
        %parallel_loop3A_156 = arith.muli %parallel_loop3A_142, %parallel_loop3A_155 : i32
        %parallel_loop3A_157 = arith.addi %mul3A_28, %parallel_loop3A_156 : i32
        %parallel_loop3A_158 = vector.broadcast %parallel_loop3A_157 : i32 to vector<16xi32>
        %parallel_loop3A_159 = arith.addi %iota3A, %parallel_loop3A_158 : vector<16xi32>
        %parallel_loop3A_160 = vector.broadcast %or3A_116 : i32 to vector<16xi32>
        %parallel_loop3A_161 = arith.cmpi sgt, %parallel_loop3A_154, %parallel_loop3A_160 : vector<16xi32>
        %parallel_loop3A_162 = vector.broadcast %or3A_116 : i32 to vector<16xi32>
        %parallel_loop3A_163 = arith.cmpi eq, %parallel_loop3A_154, %parallel_loop3A_162 : vector<16xi32>
        %parallel_loop3A_164 = arith.index_cast %parallel_loop3A_143 : i32 to index
        %parallel_loop3A_165 = tpu.vector_load %arg8[%parallel_loop3A_164] masked %parallel_loop3A_161 {strides = array<i32>} : memref<2048xf32, #tpu.memory_space<vmem>>, vector<16xf32>, vector<16xi1>
        tpu.vector_store %arg8[%parallel_loop3A_164], %parallel_loop3A_153 masked %parallel_loop3A_161 {strides = array<i32>} : memref<2048xf32, #tpu.memory_space<vmem>>, vector<16xf32>, vector<16xi1>
        %parallel_loop3A_166 = arith.index_cast %parallel_loop3A_143 : i32 to index
        %parallel_loop3A_167 = tpu.vector_load %arg9[%parallel_loop3A_166] masked %parallel_loop3A_161 {strides = array<i32>} : memref<2048xi32, #tpu.memory_space<vmem>>, vector<16xi32>, vector<16xi1>
        tpu.vector_store %arg9[%parallel_loop3A_166], %parallel_loop3A_159 masked %parallel_loop3A_161 {strides = array<i32>} : memref<2048xi32, #tpu.memory_space<vmem>>, vector<16xi32>, vector<16xi1>
        %parallel_loop3A_168 = arith.extui %parallel_loop3A_161 : vector<16xi1> to vector<16xi32>
        %parallel_loop3A_169 = arith.constant true
        %parallel_loop3A_170 = vector.broadcast %parallel_loop3A_169 : i1 to vector<16xi1>
        %parallel_loop3A_171 = tpu.scan <sum>, %parallel_loop3A_168 masked %parallel_loop3A_170 : vector<16xi32>, vector<16xi1> -> vector<16xi32>
        %parallel_loop3A_172 = vector.extract %parallel_loop3A_171[15] : i32 from vector<16xi32>
        %parallel_loop3A_173 = arith.addi %parallel_loop3A_143, %parallel_loop3A_172 : i32
        %parallel_loop3A_174 = arith.constant 1008 : i32
        %parallel_loop3A_175 = arith.cmpi sle, %parallel_loop3A_144, %parallel_loop3A_174 : i32
        %parallel_loop3A_176 = arith.extui %parallel_loop3A_175 : i1 to i32
        %parallel_loop3A_177 = arith.constant 0 : i32
        %parallel_loop3A_178 = arith.cmpi ne, %parallel_loop3A_176, %parallel_loop3A_177 : i32
        scf.if %parallel_loop3A_178 {
          %parallel_loop3A_187 = arith.constant 1024 : i32
          %parallel_loop3A_188 = arith.addi %parallel_loop3A_187, %parallel_loop3A_144 : i32
          %parallel_loop3A_189 = arith.index_cast %parallel_loop3A_188 : i32 to index
          %parallel_loop3A_190 = tpu.vector_load %arg8[%parallel_loop3A_189] masked %parallel_loop3A_163 {strides = array<i32>} : memref<2048xf32, #tpu.memory_space<vmem>>, vector<16xf32>, vector<16xi1>
          tpu.vector_store %arg8[%parallel_loop3A_189], %parallel_loop3A_153 masked %parallel_loop3A_163 {strides = array<i32>} : memref<2048xf32, #tpu.memory_space<vmem>>, vector<16xf32>, vector<16xi1>
          %parallel_loop3A_191 = arith.constant 1024 : i32
          %parallel_loop3A_192 = arith.addi %parallel_loop3A_191, %parallel_loop3A_144 : i32
          %parallel_loop3A_193 = arith.index_cast %parallel_loop3A_192 : i32 to index
          %parallel_loop3A_194 = tpu.vector_load %arg9[%parallel_loop3A_193] masked %parallel_loop3A_163 {strides = array<i32>} : memref<2048xi32, #tpu.memory_space<vmem>>, vector<16xi32>, vector<16xi1>
          tpu.vector_store %arg9[%parallel_loop3A_193], %parallel_loop3A_159 masked %parallel_loop3A_163 {strides = array<i32>} : memref<2048xi32, #tpu.memory_space<vmem>>, vector<16xi32>, vector<16xi1>
        } else {
        }
        %parallel_loop3A_179 = arith.extui %parallel_loop3A_163 : vector<16xi1> to vector<16xi32>
        %parallel_loop3A_180 = arith.constant true
        %parallel_loop3A_181 = vector.broadcast %parallel_loop3A_180 : i1 to vector<16xi1>
        %parallel_loop3A_182 = tpu.scan <sum>, %parallel_loop3A_179 masked %parallel_loop3A_181 : vector<16xi32>, vector<16xi1> -> vector<16xi32>
        %parallel_loop3A_183 = vector.extract %parallel_loop3A_182[15] : i32 from vector<16xi32>
        %parallel_loop3A_184 = arith.addi %parallel_loop3A_144, %parallel_loop3A_183 : i32
        %parallel_loop3A_185 = arith.constant 1024 : i32
        %parallel_loop3A_186 = arith.minsi %parallel_loop3A_184, %parallel_loop3A_185 : i32
        scf.yield %parallel_loop3A_173, %parallel_loop3A_186 : i32, i32
      } {sc.loop_unroll_factor = 4 : i64, sc.parallel_access}
      %scan3A_132 = arith.constant 0 : i32
      %scan3A_133 = arith.constant 0 : i32
      %scan3A_134 = arith.constant 64 : i32
      %scan3A_135 = arith.addi %scan3A_133, %scan3A_134 : i32
      %scan3A_136 = arith.constant 1 : i32
      scf.for %scan3A_142 = %scan3A_133 to %scan3A_135 step %scan3A_136  : i32 {
        %mul3A_143 = arith.constant 16 : i32
        %mul3A_144 = arith.muli %scan3A_142, %mul3A_143 : i32
        %add3A_145 = vector.broadcast %mul3A_144 : i32 to vector<16xi32>
        %add3A_146 = arith.addi %iota3A, %add3A_145 : vector<16xi32>
        %mul3A_147 = arith.constant 16 : i32
        %mul3A_148 = arith.muli %scan3A_142, %mul3A_147 : i32
        %add3A_149 = arith.constant 1024 : i32
        %add3A_150 = arith.addi %add3A_149, %mul3A_148 : i32
        %get3A = arith.index_cast %add3A_150 : i32 to index
        %get3A_151 = tpu.vector_load %arg8[%get3A] {strides = array<i32>} : memref<2048xf32, #tpu.memory_space<vmem>>, vector<16xf32>,
        %lt3A = vector.broadcast %sub3A_119 : i32 to vector<16xi32>
        %lt3A_152 = arith.cmpi slt, %add3A_146, %lt3A : vector<16xi32>
        %jit3A_153 = arith.constant -1.000000e+00 : f32
        %broadcast_in_dim3A_154 = vector.broadcast %jit3A_153 : f32 to vector<16xf32>
        %select_n3A_155 = arith.select %lt3A_152, %get3A_151, %broadcast_in_dim3A_154 : vector<16xi1>, vector<16xf32>
        %mul3A_156 = arith.constant 16 : i32
        %mul3A_157 = arith.muli %scan3A_142, %mul3A_156 : i32
        %add3A_158 = arith.constant 1024 : i32
        %add3A_159 = arith.addi %add3A_158, %mul3A_157 : i32
        %swap3A = arith.index_cast %add3A_159 : i32 to index
        %swap3A_160 = tpu.vector_load %arg8[%swap3A] {strides = array<i32>} : memref<2048xf32, #tpu.memory_space<vmem>>, vector<16xf32>,
        tpu.vector_store %arg8[%swap3A], %select_n3A_155 {strides = array<i32>} : memref<2048xf32, #tpu.memory_space<vmem>>, vector<16xf32>,
      }
      %scan3A_137 = arith.constant 64 : i32
      %dma_start3A = arith.constant 0 : i32
      %dma_start3A_138 = arith.constant 0 : i32
      %dma_start3A_139 = tpu.memref_slice %arg3[%dma_start3A, %dma_start3A_138] : memref<196416x8xf32, #tpu.memory_space<hbm>> -> memref<196416x8xf32, #tpu.memory_space<hbm>>
      tpu.enqueue_indirect_dma source(%dma_start3A_139 : memref<196416x8xf32, #tpu.memory_space<hbm>>) target(%arg10 : memref<2048x8xf32, #tpu.memory_space<vmem>>) offsets(%arg9 : memref<2048xi32, #tpu.memory_space<vmem>>) semaphore(%arg11 : memref<!tpu.dma_semaphore, #tpu.memory_space<semaphore_mem>>)
      %dma_wait3A = arith.constant 0 : i32
      %dma_wait3A_140 = arith.constant 0 : i32
      %dma_wait3A_141 = tpu.memref_slice %arg3[%dma_wait3A, %dma_wait3A_140] : memref<196416x8xf32, #tpu.memory_space<hbm>> -> memref<196416x8xf32, #tpu.memory_space<hbm>>
      tpu.wait_indirect_dma semaphore(%arg11 : memref<!tpu.dma_semaphore, #tpu.memory_space<semaphore_mem>>) src(%dma_wait3A_141 : memref<196416x8xf32, #tpu.memory_space<hbm>>) dst(%arg10 : memref<2048x8xf32, #tpu.memory_space<vmem>>)
      "tpu.region"() ({
        %run_scoped3A = tpu.sem_alloc : memref<!tpu.dma_semaphore, #tpu.memory_space<semaphore_mem>>
        %dma_start3A_142 = arith.constant 0 : i32
        %dma_start3A_143 = tpu.memref_slice %arg4[%add3A_10, %dma_start3A_142] : memref<320x2048xf32, #tpu.memory_space<hbm>> -> memref<1x2048xf32, #tpu.memory_space<hbm>>
        %dma_start3A_144 = tpu.memref_squeeze %dma_start3A_143 : memref<1x2048xf32, #tpu.memory_space<hbm>> -> memref<2048xf32, #tpu.memory_space<hbm>>
        %dma_start3A_145 = arith.constant 0 : i32
        %dma_start3A_146 = tpu.memref_slice %arg4[%add3A_10, %dma_start3A_145] : memref<320x2048xf32, #tpu.memory_space<hbm>> -> memref<1x2048xf32, #tpu.memory_space<hbm>>
        %dma_start3A_147 = tpu.memref_squeeze %dma_start3A_146 : memref<1x2048xf32, #tpu.memory_space<hbm>> -> memref<2048xf32, #tpu.memory_space<hbm>>
        tpu.enqueue_dma source(%arg8 : memref<2048xf32, #tpu.memory_space<vmem>>) target(%dma_start3A_147 : memref<2048xf32, #tpu.memory_space<hbm>>) target_semaphore(%run_scoped3A : memref<!tpu.dma_semaphore, #tpu.memory_space<semaphore_mem>>)
        %dma_wait3A_148 = arith.constant 0 : i32
        %dma_wait3A_149 = tpu.memref_slice %arg4[%add3A_10, %dma_wait3A_148] : memref<320x2048xf32, #tpu.memory_space<hbm>> -> memref<1x2048xf32, #tpu.memory_space<hbm>>
        %dma_wait3A_150 = tpu.memref_squeeze %dma_wait3A_149 : memref<1x2048xf32, #tpu.memory_space<hbm>> -> memref<2048xf32, #tpu.memory_space<hbm>>
        %dma_wait3A_151 = arith.constant 0 : i32
        %dma_wait3A_152 = tpu.memref_slice %arg4[%add3A_10, %dma_wait3A_151] : memref<320x2048xf32, #tpu.memory_space<hbm>> -> memref<1x2048xf32, #tpu.memory_space<hbm>>
        %dma_wait3A_153 = tpu.memref_squeeze %dma_wait3A_152 : memref<1x2048xf32, #tpu.memory_space<hbm>> -> memref<2048xf32, #tpu.memory_space<hbm>>
        tpu.wait_dma2 semaphore(%run_scoped3A : memref<!tpu.dma_semaphore, #tpu.memory_space<semaphore_mem>>) src(%arg8 : memref<2048xf32, #tpu.memory_space<vmem>>) dst(%dma_wait3A_153 : memref<2048xf32, #tpu.memory_space<hbm>>)
        tpu.yield
      }) : () -> ()
      "tpu.region"() ({
        %run_scoped3A = tpu.sem_alloc : memref<!tpu.dma_semaphore, #tpu.memory_space<semaphore_mem>>
        %dma_start3A_142 = arith.constant 0 : i32
        %dma_start3A_143 = arith.constant 0 : i32
        %dma_start3A_144 = tpu.memref_slice %arg5[%add3A_10, %dma_start3A_142, %dma_start3A_143] : memref<320x2048x8xf32, #tpu.memory_space<hbm>> -> memref<1x2048x8xf32, #tpu.memory_space<hbm>>
        %dma_start3A_145 = tpu.memref_squeeze %dma_start3A_144 : memref<1x2048x8xf32, #tpu.memory_space<hbm>> -> memref<2048x8xf32, #tpu.memory_space<hbm>>
        %dma_start3A_146 = arith.constant 0 : i32
        %dma_start3A_147 = arith.constant 0 : i32
        %dma_start3A_148 = tpu.memref_slice %arg5[%add3A_10, %dma_start3A_146, %dma_start3A_147] : memref<320x2048x8xf32, #tpu.memory_space<hbm>> -> memref<1x2048x8xf32, #tpu.memory_space<hbm>>
        %dma_start3A_149 = tpu.memref_squeeze %dma_start3A_148 : memref<1x2048x8xf32, #tpu.memory_space<hbm>> -> memref<2048x8xf32, #tpu.memory_space<hbm>>
        tpu.enqueue_dma source(%arg10 : memref<2048x8xf32, #tpu.memory_space<vmem>>) target(%dma_start3A_149 : memref<2048x8xf32, #tpu.memory_space<hbm>>) target_semaphore(%run_scoped3A : memref<!tpu.dma_semaphore, #tpu.memory_space<semaphore_mem>>)
        %dma_wait3A_150 = arith.constant 0 : i32
        %dma_wait3A_151 = arith.constant 0 : i32
        %dma_wait3A_152 = tpu.memref_slice %arg5[%add3A_10, %dma_wait3A_150, %dma_wait3A_151] : memref<320x2048x8xf32, #tpu.memory_space<hbm>> -> memref<1x2048x8xf32, #tpu.memory_space<hbm>>
        %dma_wait3A_153 = tpu.memref_squeeze %dma_wait3A_152 : memref<1x2048x8xf32, #tpu.memory_space<hbm>> -> memref<2048x8xf32, #tpu.memory_space<hbm>>
        %dma_wait3A_154 = arith.constant 0 : i32
        %dma_wait3A_155 = arith.constant 0 : i32
        %dma_wait3A_156 = tpu.memref_slice %arg5[%add3A_10, %dma_wait3A_154, %dma_wait3A_155] : memref<320x2048x8xf32, #tpu.memory_space<hbm>> -> memref<1x2048x8xf32, #tpu.memory_space<hbm>>
        %dma_wait3A_157 = tpu.memref_squeeze %dma_wait3A_156 : memref<1x2048x8xf32, #tpu.memory_space<hbm>> -> memref<2048x8xf32, #tpu.memory_space<hbm>>
        tpu.wait_dma2 semaphore(%run_scoped3A : memref<!tpu.dma_semaphore, #tpu.memory_space<semaphore_mem>>) src(%arg10 : memref<2048x8xf32, #tpu.memory_space<vmem>>) dst(%dma_wait3A_157 : memref<2048x8xf32, #tpu.memory_space<hbm>>)
        tpu.yield
      }) : () -> ()
    }
    %scan3A_6 = arith.constant 10 : i32
    return
  }
}

module attributes {stable_mosaic.version = 14 : i64} {
  func.func @_nms_body(%arg0: memref<320x2048xf32, #tpu.memory_space<vmem>>, %arg1: memref<320x2048xf32, #tpu.memory_space<vmem>>, %arg2: memref<320x2048xf32, #tpu.memory_space<vmem>>, %arg3: memref<320x2048xf32, #tpu.memory_space<vmem>>, %arg4: memref<320x2048xf32, #tpu.memory_space<vmem>>, %arg5: memref<320x128xf32, #tpu.memory_space<vmem>>, %arg6: memref<320x128xf32, #tpu.memory_space<vmem>>, %arg7: memref<320x128xf32, #tpu.memory_space<vmem>>, %arg8: memref<320x128xf32, #tpu.memory_space<vmem>>, %arg9: memref<320x128xf32, #tpu.memory_space<vmem>>) attributes {dimension_semantics = [], scalar_prefetch = 0 : i64, scratch_operands = 0 : i64, tpu.core_type = #tpu.core_type<tc>} {
    %get3A = arith.constant 0 : index
    %get3A_0 = arith.constant 0 : index
    %get3A_1 = vector.load %arg0[%get3A, %get3A_0] : memref<320x2048xf32, #tpu.memory_space<vmem>>, vector<320x2048xf32>
    %get3A_2 = arith.constant 0 : index
    %get3A_3 = arith.constant 0 : index
    %get3A_4 = vector.load %arg1[%get3A_2, %get3A_3] : memref<320x2048xf32, #tpu.memory_space<vmem>>, vector<320x2048xf32>
    %get3A_5 = arith.constant 0 : index
    %get3A_6 = arith.constant 0 : index
    %get3A_7 = vector.load %arg2[%get3A_5, %get3A_6] : memref<320x2048xf32, #tpu.memory_space<vmem>>, vector<320x2048xf32>
    %get3A_8 = arith.constant 0 : index
    %get3A_9 = arith.constant 0 : index
    %get3A_10 = vector.load %arg3[%get3A_8, %get3A_9] : memref<320x2048xf32, #tpu.memory_space<vmem>>, vector<320x2048xf32>
    %get3A_11 = arith.constant 0 : index
    %get3A_12 = arith.constant 0 : index
    %get3A_13 = vector.load %arg4[%get3A_11, %get3A_12] : memref<320x2048xf32, #tpu.memory_space<vmem>>, vector<320x2048xf32>
    %gt3A = arith.constant 5.000000e-02 : f32
    %gt3A_14 = vector.broadcast %gt3A : f32 to vector<320x2048xf32>
    %gt3A_15 = arith.cmpf ogt, %get3A_1, %gt3A_14 : vector<320x2048xf32>
    %jit3A = arith.constant -1.000000e+00 : f32
    %broadcast_in_dim3A = vector.broadcast %jit3A : f32 to vector<320x2048xf32>
    %select_n3A = arith.select %gt3A_15, %get3A_1, %broadcast_in_dim3A : vector<320x2048xi1>, vector<320x2048xf32>
    %sub3A = arith.subf %get3A_10, %get3A_4 : vector<320x2048xf32>
    %sub3A_16 = arith.subf %get3A_13, %get3A_7 : vector<320x2048xf32>
    %mul3A = arith.mulf %sub3A, %sub3A_16 : vector<320x2048xf32>
    %iota3A = tpu.iota {dimensions = array<i32: 1>} : vector<320x2048xi32>
    %iota3A_17 = tpu.iota {dimensions = array<i32: 1>} : vector<320x128xi32>
    %broadcast_in_dim3A_18 = arith.constant 0.000000e+00 : f32
    %broadcast_in_dim3A_19 = vector.broadcast %broadcast_in_dim3A_18 : f32 to vector<320x128xf32>
    %scan3A = arith.constant 0 : i32
    %scan3A_20 = arith.constant 100 : i32
    %scan3A_21 = arith.addi %scan3A, %scan3A_20 : i32
    %scan3A_22 = arith.constant 1 : i32
    %scan3A_23:6 = scf.for %scan3A_39 = %scan3A to %scan3A_21 step %scan3A_22 iter_args(%scan3A_40 = %select_n3A, %scan3A_41 = %broadcast_in_dim3A_19, %scan3A_42 = %broadcast_in_dim3A_19, %scan3A_43 = %broadcast_in_dim3A_19, %scan3A_44 = %broadcast_in_dim3A_19, %scan3A_45 = %broadcast_in_dim3A_19) -> (vector<320x2048xf32>, vector<320x128xf32>, vector<320x128xf32>, vector<320x128xf32>, vector<320x128xf32>, vector<320x128xf32>)  : i32 {
      %reduce_max3A = arith.constant dense<0xFF800000> : vector<320xf32>
      %reduce_max3A_46 = vector.multi_reduction <maximumf>, %scan3A_40, %reduce_max3A [1] : vector<320x2048xf32> to vector<320xf32>
      %broadcast_in_dim3A_47 = vector.shape_cast %reduce_max3A_46 : vector<320xf32> to vector<320x1xf32>
      %gt3A_48 = arith.constant 0.000000e+00 : f32
      %gt3A_49 = vector.broadcast %gt3A_48 : f32 to vector<320x1xf32>
      %gt3A_50 = arith.cmpf ogt, %broadcast_in_dim3A_47, %gt3A_49 : vector<320x1xf32>
      %eq3A = vector.broadcast %broadcast_in_dim3A_47 : vector<320x1xf32> to vector<320x2048xf32>
      %eq3A_51 = arith.cmpf oeq, %scan3A_40, %eq3A : vector<320x2048xf32>
      %jit3A_52 = arith.constant 1073741824 : i32
      %broadcast_in_dim3A_53 = vector.broadcast %jit3A_52 : i32 to vector<320x2048xi32>
      %select_n3A_54 = arith.select %eq3A_51, %iota3A, %broadcast_in_dim3A_53 : vector<320x2048xi1>, vector<320x2048xi32>
      %reduce_min3A = arith.constant dense<2147483647> : vector<320xi32>
      %reduce_min3A_55 = vector.multi_reduction <minsi>, %select_n3A_54, %reduce_min3A [1] : vector<320x2048xi32> to vector<320xi32>
      %broadcast_in_dim3A_56 = vector.shape_cast %reduce_min3A_55 : vector<320xi32> to vector<320x1xi32>
      %eq3A_57 = vector.broadcast %broadcast_in_dim3A_56 : vector<320x1xi32> to vector<320x2048xi32>
      %eq3A_58 = arith.cmpi eq, %iota3A, %eq3A_57 : vector<320x2048xi32>
      %jit3A_59 = arith.constant 0.000000e+00 : f32
      %broadcast_in_dim3A_60 = vector.broadcast %jit3A_59 : f32 to vector<320x2048xf32>
      %select_n3A_61 = arith.select %eq3A_58, %get3A_4, %broadcast_in_dim3A_60 : vector<320x2048xi1>, vector<320x2048xf32>
      %reduce_sum3A = arith.constant dense<0.000000e+00> : vector<320xf32>
      %reduce_sum3A_62 = vector.multi_reduction <add>, %select_n3A_61, %reduce_sum3A [1] : vector<320x2048xf32> to vector<320xf32>
      %broadcast_in_dim3A_63 = vector.shape_cast %reduce_sum3A_62 : vector<320xf32> to vector<320x1xf32>
      %jit3A_64 = arith.constant 0.000000e+00 : f32
      %broadcast_in_dim3A_65 = vector.broadcast %jit3A_64 : f32 to vector<320x2048xf32>
      %select_n3A_66 = arith.select %eq3A_58, %get3A_7, %broadcast_in_dim3A_65 : vector<320x2048xi1>, vector<320x2048xf32>
      %reduce_sum3A_67 = arith.constant dense<0.000000e+00> : vector<320xf32>
      %reduce_sum3A_68 = vector.multi_reduction <add>, %select_n3A_66, %reduce_sum3A_67 [1] : vector<320x2048xf32> to vector<320xf32>
      %broadcast_in_dim3A_69 = vector.shape_cast %reduce_sum3A_68 : vector<320xf32> to vector<320x1xf32>
      %jit3A_70 = arith.constant 0.000000e+00 : f32
      %broadcast_in_dim3A_71 = vector.broadcast %jit3A_70 : f32 to vector<320x2048xf32>
      %select_n3A_72 = arith.select %eq3A_58, %get3A_10, %broadcast_in_dim3A_71 : vector<320x2048xi1>, vector<320x2048xf32>
      %reduce_sum3A_73 = arith.constant dense<0.000000e+00> : vector<320xf32>
      %reduce_sum3A_74 = vector.multi_reduction <add>, %select_n3A_72, %reduce_sum3A_73 [1] : vector<320x2048xf32> to vector<320xf32>
      %broadcast_in_dim3A_75 = vector.shape_cast %reduce_sum3A_74 : vector<320xf32> to vector<320x1xf32>
      %jit3A_76 = arith.constant 0.000000e+00 : f32
      %broadcast_in_dim3A_77 = vector.broadcast %jit3A_76 : f32 to vector<320x2048xf32>
      %select_n3A_78 = arith.select %eq3A_58, %get3A_13, %broadcast_in_dim3A_77 : vector<320x2048xi1>, vector<320x2048xf32>
      %reduce_sum3A_79 = arith.constant dense<0.000000e+00> : vector<320xf32>
      %reduce_sum3A_80 = vector.multi_reduction <add>, %select_n3A_78, %reduce_sum3A_79 [1] : vector<320x2048xf32> to vector<320xf32>
      %broadcast_in_dim3A_81 = vector.shape_cast %reduce_sum3A_80 : vector<320xf32> to vector<320x1xf32>
      %sub3A_82 = arith.subf %broadcast_in_dim3A_75, %broadcast_in_dim3A_63 : vector<320x1xf32>
      %sub3A_83 = arith.subf %broadcast_in_dim3A_81, %broadcast_in_dim3A_69 : vector<320x1xf32>
      %mul3A_84 = arith.mulf %sub3A_82, %sub3A_83 : vector<320x1xf32>
      %max3A = vector.broadcast %broadcast_in_dim3A_63 : vector<320x1xf32> to vector<320x2048xf32>
      %max3A_85 = arith.maximumf %max3A, %get3A_4 : vector<320x2048xf32>
      %max3A_86 = vector.broadcast %broadcast_in_dim3A_69 : vector<320x1xf32> to vector<320x2048xf32>
      %max3A_87 = arith.maximumf %max3A_86, %get3A_7 : vector<320x2048xf32>
      %min3A = vector.broadcast %broadcast_in_dim3A_75 : vector<320x1xf32> to vector<320x2048xf32>
      %min3A_88 = arith.minimumf %min3A, %get3A_10 : vector<320x2048xf32>
      %min3A_89 = vector.broadcast %broadcast_in_dim3A_81 : vector<320x1xf32> to vector<320x2048xf32>
      %min3A_90 = arith.minimumf %min3A_89, %get3A_13 : vector<320x2048xf32>
      %sub3A_91 = arith.subf %min3A_88, %max3A_85 : vector<320x2048xf32>
      %max3A_92 = arith.constant 0.000000e+00 : f32
      %max3A_93 = vector.broadcast %max3A_92 : f32 to vector<320x2048xf32>
      %max3A_94 = arith.maximumf %sub3A_91, %max3A_93 : vector<320x2048xf32>
      %sub3A_95 = arith.subf %min3A_90, %max3A_87 : vector<320x2048xf32>
      %max3A_96 = arith.constant 0.000000e+00 : f32
      %max3A_97 = vector.broadcast %max3A_96 : f32 to vector<320x2048xf32>
      %max3A_98 = arith.maximumf %sub3A_95, %max3A_97 : vector<320x2048xf32>
      %mul3A_99 = arith.mulf %max3A_94, %max3A_98 : vector<320x2048xf32>
      %add3A = vector.broadcast %mul3A_84 : vector<320x1xf32> to vector<320x2048xf32>
      %add3A_100 = arith.addf %add3A, %mul3A : vector<320x2048xf32>
      %sub3A_101 = arith.subf %add3A_100, %mul3A_99 : vector<320x2048xf32>
      %add3A_102 = arith.constant 9.99999993E-9 : f32
      %add3A_103 = vector.broadcast %add3A_102 : f32 to vector<320x2048xf32>
      %add3A_104 = arith.addf %sub3A_101, %add3A_103 : vector<320x2048xf32>
      %div3A = arith.divf %mul3A_99, %add3A_104 : vector<320x2048xf32>
      %gt3A_105 = arith.constant 5.000000e-01 : f32
      %gt3A_106 = vector.broadcast %gt3A_105 : f32 to vector<320x2048xf32>
      %gt3A_107 = arith.cmpf ogt, %div3A, %gt3A_106 : vector<320x2048xf32>
      %or3A = arith.ori %gt3A_107, %eq3A_58 : vector<320x2048xi1>
      %jit3A_108 = arith.constant -1.000000e+00 : f32
      %broadcast_in_dim3A_109 = vector.broadcast %jit3A_108 : f32 to vector<320x2048xf32>
      %select_n3A_110 = arith.select %or3A, %broadcast_in_dim3A_109, %scan3A_40 : vector<320x2048xi1>, vector<320x2048xf32>
      %eq3A_111 = vector.broadcast %scan3A_39 : i32 to vector<320x128xi32>
      %eq3A_112 = arith.cmpi eq, %iota3A_17, %eq3A_111 : vector<320x128xi32>
      %jit3A_113 = arith.constant -1.000000e+00 : f32
      %broadcast_in_dim3A_114 = vector.broadcast %jit3A_113 : f32 to vector<320x1xf32>
      %select_n3A_115 = arith.select %gt3A_50, %broadcast_in_dim3A_47, %broadcast_in_dim3A_114 : vector<320x1xi1>, vector<320x1xf32>
      %jit3A_116 = arith.constant 0.000000e+00 : f32
      %broadcast_in_dim3A_117 = vector.shape_cast %select_n3A_115 : vector<320x1xf32> to vector<320x1xf32>
      %broadcast_in_dim3A_118 = vector.broadcast %broadcast_in_dim3A_117 : vector<320x1xf32> to vector<320x128xf32>
      %broadcast_in_dim3A_119 = vector.broadcast %jit3A_116 : f32 to vector<320x128xf32>
      %select_n3A_120 = arith.select %eq3A_112, %broadcast_in_dim3A_118, %broadcast_in_dim3A_119 : vector<320x128xi1>, vector<320x128xf32>
      %add3A_121 = arith.addf %scan3A_41, %select_n3A_120 : vector<320x128xf32>
      %jit3A_122 = arith.constant 0.000000e+00 : f32
      %broadcast_in_dim3A_123 = vector.broadcast %jit3A_122 : f32 to vector<320x1xf32>
      %select_n3A_124 = arith.select %gt3A_50, %broadcast_in_dim3A_63, %broadcast_in_dim3A_123 : vector<320x1xi1>, vector<320x1xf32>
      %jit3A_125 = arith.constant 0.000000e+00 : f32
      %broadcast_in_dim3A_126 = vector.shape_cast %select_n3A_124 : vector<320x1xf32> to vector<320x1xf32>
      %broadcast_in_dim3A_127 = vector.broadcast %broadcast_in_dim3A_126 : vector<320x1xf32> to vector<320x128xf32>
      %broadcast_in_dim3A_128 = vector.broadcast %jit3A_125 : f32 to vector<320x128xf32>
      %select_n3A_129 = arith.select %eq3A_112, %broadcast_in_dim3A_127, %broadcast_in_dim3A_128 : vector<320x128xi1>, vector<320x128xf32>
      %add3A_130 = arith.addf %scan3A_42, %select_n3A_129 : vector<320x128xf32>
      %jit3A_131 = arith.constant 0.000000e+00 : f32
      %broadcast_in_dim3A_132 = vector.broadcast %jit3A_131 : f32 to vector<320x1xf32>
      %select_n3A_133 = arith.select %gt3A_50, %broadcast_in_dim3A_69, %broadcast_in_dim3A_132 : vector<320x1xi1>, vector<320x1xf32>
      %jit3A_134 = arith.constant 0.000000e+00 : f32
      %broadcast_in_dim3A_135 = vector.shape_cast %select_n3A_133 : vector<320x1xf32> to vector<320x1xf32>
      %broadcast_in_dim3A_136 = vector.broadcast %broadcast_in_dim3A_135 : vector<320x1xf32> to vector<320x128xf32>
      %broadcast_in_dim3A_137 = vector.broadcast %jit3A_134 : f32 to vector<320x128xf32>
      %select_n3A_138 = arith.select %eq3A_112, %broadcast_in_dim3A_136, %broadcast_in_dim3A_137 : vector<320x128xi1>, vector<320x128xf32>
      %add3A_139 = arith.addf %scan3A_43, %select_n3A_138 : vector<320x128xf32>
      %jit3A_140 = arith.constant 0.000000e+00 : f32
      %broadcast_in_dim3A_141 = vector.broadcast %jit3A_140 : f32 to vector<320x1xf32>
      %select_n3A_142 = arith.select %gt3A_50, %broadcast_in_dim3A_75, %broadcast_in_dim3A_141 : vector<320x1xi1>, vector<320x1xf32>
      %jit3A_143 = arith.constant 0.000000e+00 : f32
      %broadcast_in_dim3A_144 = vector.shape_cast %select_n3A_142 : vector<320x1xf32> to vector<320x1xf32>
      %broadcast_in_dim3A_145 = vector.broadcast %broadcast_in_dim3A_144 : vector<320x1xf32> to vector<320x128xf32>
      %broadcast_in_dim3A_146 = vector.broadcast %jit3A_143 : f32 to vector<320x128xf32>
      %select_n3A_147 = arith.select %eq3A_112, %broadcast_in_dim3A_145, %broadcast_in_dim3A_146 : vector<320x128xi1>, vector<320x128xf32>
      %add3A_148 = arith.addf %scan3A_44, %select_n3A_147 : vector<320x128xf32>
      %jit3A_149 = arith.constant 0.000000e+00 : f32
      %broadcast_in_dim3A_150 = vector.broadcast %jit3A_149 : f32 to vector<320x1xf32>
      %select_n3A_151 = arith.select %gt3A_50, %broadcast_in_dim3A_81, %broadcast_in_dim3A_150 : vector<320x1xi1>, vector<320x1xf32>
      %jit3A_152 = arith.constant 0.000000e+00 : f32
      %broadcast_in_dim3A_153 = vector.shape_cast %select_n3A_151 : vector<320x1xf32> to vector<320x1xf32>
      %broadcast_in_dim3A_154 = vector.broadcast %broadcast_in_dim3A_153 : vector<320x1xf32> to vector<320x128xf32>
      %broadcast_in_dim3A_155 = vector.broadcast %jit3A_152 : f32 to vector<320x128xf32>
      %select_n3A_156 = arith.select %eq3A_112, %broadcast_in_dim3A_154, %broadcast_in_dim3A_155 : vector<320x128xi1>, vector<320x128xf32>
      %add3A_157 = arith.addf %scan3A_45, %select_n3A_156 : vector<320x128xf32>
      scf.yield %select_n3A_110, %add3A_121, %add3A_130, %add3A_139, %add3A_148, %add3A_157 : vector<320x2048xf32>, vector<320x128xf32>, vector<320x128xf32>, vector<320x128xf32>, vector<320x128xf32>, vector<320x128xf32>
    }
    %scan3A_24 = arith.constant 100 : i32
    %swap3A = arith.constant 0 : index
    %swap3A_25 = arith.constant 0 : index
    %swap3A_26 = vector.load %arg5[%swap3A, %swap3A_25] : memref<320x128xf32, #tpu.memory_space<vmem>>, vector<320x128xf32>
    tpu.vector_store %arg5[%swap3A, %swap3A_25], %scan3A_23#1 {strides = array<i32>} : memref<320x128xf32, #tpu.memory_space<vmem>>, vector<320x128xf32>,
    %swap3A_27 = arith.constant 0 : index
    %swap3A_28 = arith.constant 0 : index
    %swap3A_29 = vector.load %arg6[%swap3A_27, %swap3A_28] : memref<320x128xf32, #tpu.memory_space<vmem>>, vector<320x128xf32>
    tpu.vector_store %arg6[%swap3A_27, %swap3A_28], %scan3A_23#2 {strides = array<i32>} : memref<320x128xf32, #tpu.memory_space<vmem>>, vector<320x128xf32>,
    %swap3A_30 = arith.constant 0 : index
    %swap3A_31 = arith.constant 0 : index
    %swap3A_32 = vector.load %arg7[%swap3A_30, %swap3A_31] : memref<320x128xf32, #tpu.memory_space<vmem>>, vector<320x128xf32>
    tpu.vector_store %arg7[%swap3A_30, %swap3A_31], %scan3A_23#3 {strides = array<i32>} : memref<320x128xf32, #tpu.memory_space<vmem>>, vector<320x128xf32>,
    %swap3A_33 = arith.constant 0 : index
    %swap3A_34 = arith.constant 0 : index
    %swap3A_35 = vector.load %arg8[%swap3A_33, %swap3A_34] : memref<320x128xf32, #tpu.memory_space<vmem>>, vector<320x128xf32>
    tpu.vector_store %arg8[%swap3A_33, %swap3A_34], %scan3A_23#4 {strides = array<i32>} : memref<320x128xf32, #tpu.memory_space<vmem>>, vector<320x128xf32>,
    %swap3A_36 = arith.constant 0 : index
    %swap3A_37 = arith.constant 0 : index
    %swap3A_38 = vector.load %arg9[%swap3A_36, %swap3A_37] : memref<320x128xf32, #tpu.memory_space<vmem>>, vector<320x128xf32>
    tpu.vector_store %arg9[%swap3A_36, %swap3A_37], %scan3A_23#5 {strides = array<i32>} : memref<320x128xf32, #tpu.memory_space<vmem>>, vector<320x128xf32>,
    return
  }
}

</mosaic_0001>

<sc_bundles>
// kernel: kernel.4.cloned.1.call-start
scs
__scs_entry_jumppad:
0x0: {  	(pc) =	sbr.rel $0x88, $3  }
0x1: {  	(tag) =	ssettag $0x0;
	lr =	simm.s32 $0x1  }
0x2: {  	[smem:$0x3FA0] =	sst lr;
	_ =	strace $0xD0000000  }
0x3: {  	_ = 	snop  }
0x4: {  	_ = 	snop  }
0x5: {  	_ = 	snop  }
0x6: {  	_ = 	snop  }
0x7: {  	_ = 	snop  }
__scs_overlays_trampoline_lowered:
0x8: {  	[smem:$0x3FAF] =	sst s0  }
0x9: {  	[smem:$0x3FB0] =	sst s1  }
0xa: {  	[smem:$0x3FB1] =	sst s2  }
0xb: {  	[smem:$0x3FB2] =	sst s3  }
0xc: {  	[smem:$0x3FB3] =	sst s4  }
0xd: {  	[smem:$0x3FB4] =	sst s5  }
0xe: {  	[smem:$0x3FB5] =	sst s6  }
0xf: {  	[smem:$0x3FB6] =	sst s7  }
0x10: {  	[smem:$0x3FB7] =	sst s8  }
0x11: {  	[smem:$0x3FB8] =	sst s9;
	s0 =	simm.s32 @!p0 $0x0  }
0x12: {  	s1 =	sld [smem:$0x3F9E];
	s0 =	simm.s32 @p0 $0x1  }
0x13: {  	[smem:$0x3FB9] =	sst s0;
	s0 =	simm.s32 @!p1 $0x0  }
0x14: {  	s2 =	sld [smem:$0x3F9D];
	s0 =	simm.s32 @p1 $0x1  }
0x15: {  	[smem:$0x3FBA] =	sst s0;
	s0 =	simm.s32 @!p2 $0x0  }
0x16: {  	s3 =	sld [smem:$0x3FDB];
	s0 =	simm.s32 @p2 $0x1  }
0x17: {  	s4 =	simm.s32 $0x1BF5;
	[smem:$0x3FBC] =	sst s0  }
0x18: {  	s0 =	sld [smem:$0x3F9F];
	_ =	swait.ge [sflag:s4], $0x0  }
0x19: {  	s7 =	sld [smem:$0x3FA0]  }
0x1a: {  	s8 =	sadd.s32 $0xFFFFE003, lr  }
0x1b: {  	s9 =	sadd.s32 $0xFFFFFEF7, lr;
	s5 =	simm.s32 $0xFFFFFFFF;
	p2 =	slt.u32 s8, $0xFFFFF086  }
0x1c: {  	p1 =	slt.u32 s9, $0xF7A;
	s5 =	simm.s32 @!p2 $0x0  }
0x1d: {  	s5 =	simm.s32 @p1 $0x1;
	p0 =	seq.s32 s7, s2  }
0x1e: {  	s7 =	smul.u32 @!p0 $0xF7A, s2;
	p2 =	seq.s32 @!p0 s5, $0x0  }
0x1f: {  	s9 =	smul.u32 $0xF7A, s1;
	s8 =	simm.s32 @!p0 $0x1BF5;
	p2 =	por !p2, p0  }
0x20: {  	[sflag:s8] =	ssyncset.s32 @!p0 $0xFFFFF086;
	s6 =	sadd.s32 @!p0 s3, s7;
	s7 =	simm.s32 @!p0 $0x108  }
0x21: {  	s3 =	sadd.s32 s3, s9;
	s6 =	sadd.s32 @!p0 $0x88, s6;
	s7 =	simm.s32 @p2 $0x1082  }
0x22: {  	[simem:s7], [sflag:s8] =	dma.local @!p0 [hbm:s6], $0xF7A  }
0x23: {  	s9 =	sor.u32 $0xD0000000, s2;
	s6 =	simm.s32 $0x108;
	_ =	swait.ge @!p0 [sflag:s8], $0x0  }
0x24: {  	s3 =	sadd.s32 $0x88, s3;
	s6 =	simm.s32 @!p1 $0x1082;
	[sflag:s4] =	ssyncset.s32 $0xFFFFF086  }
0x25: {  	[simem:s6], [sflag:s4] =	dma.local [hbm:s3], $0xF7A  }
0x26: {  	[smem:$0x3FA0] =	sst s1;
	(tag) =	ssettag s2;
	_ =	strace s9  }
0x27: {  	s1 =	sld [smem:$0x3FB0]  }
0x28: {  	s2 =	sld [smem:$0x3FB1]  }
0x29: {  	s4 =	sld [smem:$0x3FB3]  }
0x2a: {  	p0 =	seq.s32 s5, $0x0;
	s5 =	sld [smem:$0x3FB4]  }
0x2b: {  	s6 =	sld [smem:$0x3FB5]  }
0x2c: {  	s7 =	sld [smem:$0x3FB6]  }
0x2d: {  	s3 =	simm.s32 $0x108;
	s8 =	sld [smem:$0x3FB7]  }
0x2e: {  	s3 =	simm.s32 @!p0 $0x1082;
	s9 =	sld [smem:$0x3FB8]  }
0x2f: {  	lr =	sadd.s32 s0, s3;
	s0 =	sld [smem:$0x3FAF]  }
0x30: {  	s3 =	sld [smem:$0x3FB2]  }
0x31: {  	[smem:$0x3FBB] =	sst s10  }
0x32: {  	s10 =	sld [smem:$0x3FB9];
	_ =	sdelay $0x3  }
0x33: {  	p0 =	seq.s32 s10, $0x1;
	s10 =	sld [smem:$0x3FBB];
	_ =	sdelay $0x3  }
0x34: {  	[smem:$0x3FBB] =	sst s10  }
0x35: {  	s10 =	sld [smem:$0x3FBA];
	_ =	sdelay $0x3  }
0x36: {  	p1 =	seq.s32 s10, $0x1;
	s10 =	sld [smem:$0x3FBB];
	_ =	sdelay $0x3  }
0x37: {  	[smem:$0x3FBB] =	sst s10  }
0x38: {  	s10 =	sld [smem:$0x3FBC]  }
0x39: {  	_ = 	snop;
	(pc) =	sbr.ind lr, $3  }
0x3a: {  	_ = 	snop  }
0x3b: {  	_ = 	snop  }
0x3c: {  	p2 =	seq.s32 s10, $0x1;
	s10 =	sld [smem:$0x3FBB]  }
0x3d: {  	_ =	shalt  }
0x3e: {  	_ =	shalt  }
0x3f: {  	_ =	shalt  }
0x40: {  	_ =	shalt  }
0x41: {  	_ =	shalt  }
0x42: {  	_ =	shalt  }
0x43: {  	_ =	shalt  }
0x44: {  	_ =	shalt  }
0x45: {  	_ =	shalt  }
0x46: {  	_ =	shalt  }
0x47: {  	_ =	shalt  }
0x48: {  	_ =	shalt  }
0x49: {  	_ =	shalt  }
0x4a: {  	_ =	shalt  }
0x4b: {  	_ =	shalt  }
0x4c: {  	_ =	shalt  }
0x4d: {  	_ =	shalt  }
0x4e: {  	_ =	shalt  }
0x4f: {  	_ =	shalt  }
0x50: {  	_ =	shalt  }
0x51: {  	_ =	shalt  }
0x52: {  	_ =	shalt  }
0x53: {  	_ =	shalt  }
0x54: {  	_ =	shalt  }
0x55: {  	_ =	shalt  }
0x56: {  	_ =	shalt  }
0x57: {  	_ =	shalt  }
0x58: {  	_ =	shalt  }
0x59: {  	_ =	shalt  }
0x5a: {  	_ =	shalt  }
0x5b: {  	_ =	shalt  }
0x5c: {  	_ =	shalt  }
0x5d: {  	_ =	shalt  }
0x5e: {  	_ =	shalt  }
0x5f: {  	_ =	shalt  }
0x60: {  	_ =	shalt  }
0x61: {  	_ =	shalt  }
0x62: {  	_ =	shalt  }
0x63: {  	_ =	shalt  }
0x64: {  	_ =	shalt  }
0x65: {  	_ =	shalt  }
0x66: {  	_ =	shalt  }
0x67: {  	_ =	shalt  }
0x68: {  	_ =	shalt  }
0x69: {  	_ =	shalt  }
0x6a: {  	_ =	shalt  }
0x6b: {  	_ =	shalt  }
0x6c: {  	_ =	shalt  }
0x6d: {  	_ =	shalt  }
0x6e: {  	_ =	shalt  }
0x6f: {  	_ =	shalt  }
0x70: {  	_ =	shalt  }
0x71: {  	_ =	shalt  }
0x72: {  	_ =	shalt  }
0x73: {  	_ =	shalt  }
0x74: {  	_ =	shalt  }
0x75: {  	_ =	shalt  }
0x76: {  	_ =	shalt  }
0x77: {  	_ =	shalt  }
0x78: {  	_ =	shalt  }
0x79: {  	_ =	shalt  }
0x7a: {  	_ =	shalt  }
0x7b: {  	_ =	shalt  }
0x7c: {  	_ =	shalt  }
0x7d: {  	_ =	shalt  }
0x7e: {  	_ =	shalt  }
0x7f: {  	_ =	shalt  }
0x80: {  	_ =	shalt  }
0x81: {  	_ =	shalt  }
0x82: {  	_ =	shalt  }
0x83: {  	_ =	shalt  }
0x84: {  	_ =	shalt  }
0x85: {  	_ =	shalt  }
0x86: {  	_ =	shalt  }
0x87: {  	_ =	shalt  }
.Lfunc_end0:
.L_simem_size_0:
called_computation.1_lowered:
.L_overlay_start_0:
0x88: {  	s2 =	sld [smem:$0x3FD9]  }
0x89: {  	s3 =	sld [smem:$0x3FFE];
	_ =	sdelay $0x1  }
0x8a: {  	s1 =	srdreg.scid  }
0x8b: {  	s0 =	sand.u32 $0x1, s1  }
0x8c: {  	s16 =	sshll.u32 s0, $0xA;
	s2 =	sadd.s32 s3, s2  }
0x8d: {  	s2 =	sadd.s32 s2, s16  }
0x8e: {  	[smem:$0x3FC7] =	sst s2  }
0x8f: {  	_ = 	snop  }
0x90: {  	(tm) =	ssettm $0x1  }
0x91: {  	s17 =	sld [smem:$0x3FFB];
	_ =	sdelay $0x3  }
0x92: {  	_ =	strace s17  }
0x93: {  	s2 =	sld [smem:$0x3FFC];
	_ =	sdelay $0x3  }
0x94: {  	_ =	strace s2  }
0x95: {  	s2 =	sld [smem:$0x3FFD];
	_ =	sdelay $0x3  }
0x96: {  	_ =	strace s2  }
0x97: {  	_ =	strace $0x8FFFFFFF  }
0x98: {  	s18 =	sld [smem:$0x3FDB];
	_ =	sdelay $0x1  }
0x99: {  	s19 =	simm.s32 $_scs_section_size  }
0x9a: {  	s4 =	simm.s32 $_size__tile_overlayer_lowered;
	s5 =	simm.s32 $_tile_overlayer_lowered  }
0x9b: {  	s22 =	simm.s32 $0x1BFF;
	s21 =	sshll.u32 s5, $0x1;
	s2 =	sadd.s32 s19, s18  }
0x9c: {  	s6 =	simm.s32 $0x0;
	s20 =	sshll.u32 s4, $0x1;
	s4 =	sadd.s32 s21, s2  }
0x9d: {  	[timem:s6], [sflag:s22] =	dma.local [hbm:s4], s20  }
0x9e: {  	_ =	swait.ge [sflag:s22], s20  }
0x9f: {  	s3 =	ssub.s32 $0x0, s20;
	[sflag:s22] =	ssyncset.done $0x0  }
0xa0: {  	[sflag:s22] =	ssyncadd.s32 s3;
	_ =	sdelay $0x1  }
0xa1: {  	s23 =	simm.s32 $0x1B8B  }
0xa2: {  	_ =	swait.ge [sflag:s23], $0x1  }
0xa3: {  	[sflag:s23] =	ssyncset.done $0x0  }
0xa4: {  	s25 =	simm.s32 $0x1B8E;
	s24 =	sld [smem:$0x3FFE];
	[sflag:s23] =	ssyncadd.s32 $0xFFFFFFFF  }
0xa5: {  	s26 =	simm.s32 $execute0_lowered;
	[smem:$0x3FD2] =	sst s25  }
0xa6: {  	s4 =	sshll.u32 s26, $0x1;
	_ =	strace $0x80000049;
	[dreg:$0x1] =	wrdreg $0xFFFFFFFF  }
0xa7: {  	s28 =	simm.s32 $_size_execute0_lowered;
	s2 =	sadd.s32 s2, s4;
	[dreg:$0x0] =	wrdreg $0x0  }
0xa8: {  	s4 =	sshll.u32 s28, $0x1;
	[dreg:$0x2] =	wrdreg s2  }
0xa9: {  	[dreg:$0x3] =	wrdreg s4  }
0xaa: {  	[dreg:$0x4] =	wrdreg $0xC0  }
0xab: {  	_ =	task [dreg:s6], $0x5FFFF  }
0xac: {  	[dreg:$0x1] =	wrdreg $0xFFFFFFFF  }
0xad: {  	[dreg:$0x0] =	wrdreg $0x60  }
0xae: {  	[dreg:$0x2] =	wrdreg s24  }
0xaf: {  	[dreg:$0x3] =	wrdreg $0x9  }
0xb0: {  	_ =	task.clear_ibuf [dreg:s6], $0x4FFFF;
	_ =	strace $0x90000049  }
0xb1: {  	s29 =	simm.s32 $0x9;
	_ =	strace $0x8000004B  }
0xb2: {  	_ =	swait.ge [sflag:s29], $0x1  }
0xb3: {  	[sflag:s29] =	ssyncadd.s32 $0xFFFFFFFF  }
0xb4: {  	_ =	strace $0x9000004B  }
0xb5: {  	_ =	sfence  }
0xb6: {  	s30 =	sld [smem:$0x0];
	_ =	sdelay $0x2  }
0xb7: {  	s31 =	sshll.u32 s1, $0xD;
	s1 =	sshrl.u32 s1, $0x2  }
0xb8: {  	s3 =	sand.u32 $0x4000, s31;
	s1 =	sadd.s32 s1, s30  }
0xb9: {  	s0 =	sor.u32 s3, s0;
	s1 =	sshll.u32 s1, $0x11  }
0xba: {  	s0 =	sor.u32 s1, s0  }
0xbb: {  	s0 =	sadd.s32 $0x8F2B, s0  }
0xbc: {  	[sflag:s0] =	ssyncadd.remote.s32 $0x1  }
0xbd: {  	_ =	sfence.sel $0xFFFF  }
0xbe: {  	[dreg:$0x0] =	wrdreg $0xFFFFFFFF;
	(pc) =	sbr.abs _section_cstart, $3  }
0xbf: {  	[dreg:$0x1] =	wrdreg $0xFFFFFFFF  }
0xc0: {  	_ =	task.clear_ibuf [dreg:s6], $0x2FFFF;
	_ =	strace $0x9FFFFFFF  }
0xc1: {  	(tm) =	ssettm $0x7FFFFFFF  }
tec
execute0_lowered:
.L_overlay_start_1:
0x0: {  	(tag) =	ssettag $0x1  }
0x1: {  	s0 =	rddreg [dreg:$0x0];
	s1 =	simm.s32 $0x0;
	s23 =	srdreg.scid  }
0x2: {  	s5 =	stileid.u32;
	[smem:$0x7FF] =	sst s1  }
0x3: {  	s2 =	sadd.s32 $0x1E0600, s0;
	s24 =	sadd.s32 $0x6BFA00, s0;
	s1 =	sand.u32 $0x1, s23  }
0x4: {  	s25 =	sadd.s32 $0x600, s0;
	_ =	strace $0x8000004A;
	[dreg:$0x2] =	wrdreg s2  }
0x5: {  	s4 =	sshll.u32 s5, $0x1;
	s5 =	smul.u32 $0x14, s5;
	[dreg:$0x3] =	wrdreg s24  }
0x6: {  	s26 =	ssub.s32 $0x2, s1;
	s28 =	sor.u32 s1, s4;
	s1 =	smul.u32 $0xA, s1  }
0x7: {  	s0 =	sadd.s32 $0x14600, s0;
	[dreg:$0x4] =	wrdreg s25;
	s29 =	smul.u32 $0xA, s28  }
0x8: {  	[dreg:$0x5] =	wrdreg s0;
	s3 =	sshrl.u32 s26, $0x1  }
0x9: {  	s2 =	ssub.s32 s26, s3;
	s31 =	sadd.s32 s1, s5;
	[dreg:$0x6] =	wrdreg s29  }
0xa: {  	s11 =	simm.s32 $0xC000;
	v0 =	vimm.s32 $0x0;
	v1 =	vlaneseq.u32;
	s30 =	smax.u32 s2, $0x1;
	[dreg:$0x8] =	wrdreg s31  }
0xb: {  	v2 =	vimm.s32 $0x1;
	v4 =	vimm.f32 $-1.000000000e+00;
	v3 =	vor.u32 $0xFF8, v1;
	s3 =	simm.s32 $0x2;
	s1 =	simm.s32 $0x0;
	[dreg:$0x7] =	wrdreg s30  }
.LBB2_1:
0xc: {  	[dreg:$0x9] =	wrdreg s1  }
0xd: {  	s18 =	rddreg [dreg:$0x8];
	s19 =	simm.s32 $0x0  }
.LBB2_2:
0xe: {  	s0 =	rddreg [dreg:$0x6]  }
0xf: {  	s20 =	sadd.s32 s0, s19  }
0x10: {  	s0 =	smul.u32 $0x1800, s20  }
0x11: {  	s2 =	rddreg [dreg:$0x2]  }
0x12: {  	s1 =	smulhi.u32 $0xCCCCCCCD, s18;
	s2 =	sadd.s32 s2, s0;
	s0 =	simm.s32 $0x0  }
0x13: {  	[tilespmem:s0], [sflag:$0x2] =	stream.linear.gather [hbm4b:s2+s0], $0xC000, $0x38;
	[tilespmem:$0x12000] =	vst v63  }
0x14: {  	_ =	swait.ge [sflag:s3], $0xC000  }
0x15: {  	s1 =	sshrl.u32 s1, $0x6;
	[sflag:s3] =	ssyncset.done $0x0  }
0x16: {  	s21 =	smul.u32 $0xBFD0, s1;
	[sflag:s3] =	ssyncadd.s32 $0xFFFF4000  }
.LBB2_3:
0x17: {  	p0 =	sne.s32 s0, $0x3FC0  }
.Ltmp0:
0x18: {  	_ = 	snop;
	(pc) =	sbr.rel @p0 .LBB2_3-.Ltmp0, $3  }
0x19: {  	_ =	sdelay $0x1  }
0x1a: {  	s1 =	sshra.s32 s0, $0x2  }
0x1b: {  	s0 =	sadd.s32 $0x40, s0;
	[tilespmem:s1+$0xC000] =	vst v0  }
0x1c: {  	s0 =	simm.s32 $0x40  }
0x1d: {  	v5 =	vld [tilespmem:s0+$0x30]  }
0x1e: {  	v6 =	vld [tilespmem:s0+$0xFFFFFFD0]  }
0x1f: {  	v7 =	vld [tilespmem:s0+$0xFFFFFFE0]  }
0x20: {  	v8 =	vld [tilespmem:s0+$0xFFFFFFF0];
	_ =	sdelay $0x1  }
0x21: {  	v9 =	vld [tilespmem:s0+$0x0];
	v5 =	vshrl.u32 v5, $0x14  }
0x22: {  	v10 =	vld [tilespmem:s0+$0x10];
	v6 =	vshrl.u32 v6, $0x14;
	v5 =	vand.u32 $0xFF0, v5  }
0x23: {  	v11 =	vld [tilespmem:s0+$0x20];
	v7 =	vshrl.u32 v7, $0x14;
	v6 =	vand.u32 $0xFF0, v6;
	v12 =	vor.u32 v1, v5  }
0x24: {  	v13 =	vld [tilespmem:s0+$0xFFFFFFC0];
	v6 =	vor.u32 v1, v6;
	v5 =	vand.u32 $0xFF0, v7;
	v7 =	vshrl.u32 v8, $0x14  }
0x25: {  	v8 =	vor.u32 v1, v5;
	v5 =	vand.u32 $0xFF0, v7  }
0x26: {  	v7 =	vshrl.u32 v9, $0x14;
	v9 =	vor.u32 v1, v5;
	_ =	sdelay $0x1  }
0x27: {  	v5 =	vand.u32 $0xFF0, v7;
	v7 =	vshrl.u32 v10, $0x14;
	v10 =	vshrl.u32 v11, $0x14;
	[tilespmem:v12+s11+$0x0] =	vst.idx.add.s32.msk $0xffff, v2  }
0x28: {  	v11 =	vshrl.u32 v13, $0x14;
	v5 =	vor.u32 v1, v5;
	v7 =	vand.u32 $0xFF0, v7;
	[tilespmem:v6+s11+$0x0] =	vst.idx.add.s32.msk $0xffff, v2  }
0x29: {  	s3 =	simm.s32 $0x0;
	s2 =	simm.s32 $0xCFF0;
	v6 =	vor.u32 v1, v7;
	v7 =	vand.u32 $0xFF0, v10;
	v10 =	vand.u32 $0xFF0, v11;
	[tilespmem:v8+s11+$0x0] =	vst.idx.add.s32.msk $0xffff, v2  }
0x2a: {  	s23 =	simm.s32 $0xFFFFFFFF;
	s1 =	simm.s32 $0xFF;
	s4 =	simm.s32 $0xC0;
	v7 =	vor.u32 v1, v7;
	v8 =	vor.u32 v1, v10;
	[tilespmem:v9+s11+$0x0] =	vst.idx.add.s32.msk $0xffff, v2  }
.LBB2_5:
0x2b: {  	v9 =	vld [tilespmem:s4+$0x30];
	s3 =	sadd.s32 $0x8, s3  }
0x2c: {  	v10 =	vld [tilespmem:s4+$0xFFFFFFD0];
	p0 =	slt.u32 s3, $0xBF8  }
0x2d: {  	v11 =	vld [tilespmem:s4+$0xFFFFFFE0]  }
0x2e: {  	v12 =	vld [tilespmem:s4+$0xFFFFFFF0]  }
0x2f: {  	v13 =	vld [tilespmem:s4+$0x0]  }
0x30: {  	v14 =	vld [tilespmem:s4+$0x10];
	v9 =	vshrl.u32 v9, $0x14  }
0x31: {  	v10 =	vshrl.u32 v10, $0x14;
	v15 =	vld [tilespmem:s4+$0x20];
	v9 =	vand.u32 $0xFF0, v9  }
0x32: {  	v16 =	vld [tilespmem:s4+$0xFFFFFFC0];
	v10 =	vand.u32 $0xFF0, v10;
	v11 =	vshrl.u32 v11, $0x14;
	v9 =	vor.u32 v1, v9  }
0x33: {  	v10 =	vor.u32 v1, v10;
	v11 =	vand.u32 $0xFF0, v11;
	v12 =	vshrl.u32 v12, $0x14;
	[tilespmem:v8+s11+$0x0] =	vst.idx.add.s32.msk $0xffff, v2  }
0x34: {  	v11 =	vor.u32 v1, v11;
	v8 =	vand.u32 $0xFF0, v12;
	v12 =	vshrl.u32 v13, $0x14;
	[tilespmem:v5+s11+$0x0] =	vst.idx.add.s32.msk $0xffff, v2  }
0x35: {  	v13 =	vor.u32 v1, v8;
	v5 =	vand.u32 $0xFF0, v12;
	v8 =	vshrl.u32 v14, $0x14;
	[tilespmem:v6+s11+$0x0] =	vst.idx.add.s32.msk $0xffff, v2  }
.Ltmp1:
0x36: {  	v5 =	vor.u32 v1, v5;
	v6 =	vand.u32 $0xFF0, v8;
	v8 =	vshrl.u32 v15, $0x14;
	[tilespmem:v7+s11+$0x0] =	vst.idx.add.s32.msk $0xffff, v2;
	(pc) =	sbr.rel @p0 .LBB2_5-.Ltmp1, $4  }
0x37: {  	s0 =	simm.s32 $0x0;
	v7 =	vshrl.u32 v16, $0x14;
	v6 =	vor.u32 v1, v6;
	v8 =	vand.u32 $0xFF0, v8;
	[tilespmem:v9+s11+$0x0] =	vst.idx.add.s32.msk $0xffff, v2  }
0x38: {  	v9 =	vand.u32 $0xFF0, v7;
	[tilespmem:v10+s11+$0x0] =	vst.idx.add.s32.msk $0xffff, v2;
	v7 =	vor.u32 v1, v8  }
0x39: {  	v8 =	vor.u32 v1, v9;
	[tilespmem:v11+s11+$0x0] =	vst.idx.add.s32.msk $0xffff, v2  }
0x3a: {  	s4 =	sadd.s32 $0x80, s4;
	[tilespmem:v13+s11+$0x0] =	vst.idx.add.s32.msk $0xffff, v2  }
0x3b: {  	_ =	sdelay $0x3  }
0x3c: {  	[tilespmem:v8+s11+$0x0] =	vst.idx.add.s32.msk $0xffff, v2  }
0x3d: {  	[tilespmem:v5+s11+$0x0] =	vst.idx.add.s32.msk $0xffff, v2  }
0x3e: {  	[tilespmem:v6+s11+$0x0] =	vst.idx.add.s32.msk $0xffff, v2  }
0x3f: {  	[tilespmem:v7+s11+$0x0] =	vst.idx.add.s32.msk $0xffff, v2  }
0x40: {  	v5 =	vld [tilespmem:s2+$0x0];
	_ =	sdelay $0x4  }
0x41: {  	(xrf0) =	vadd.scan.msk.s32 $0xffff, v5;
	_ =	sdelay $0x5  }
0x42: {  	s28 =	simm.s32 $0xCFE0;
	v5, _, _ =	vpop (xrf0)  }
0x43: {  	(v2sf) =	vpush v5, $0xF;
	v5 =	vld [tilespmem:s28+$0x0];
	_ =	sdelay $0x4  }
0x44: {  	s29 =	simm.s32 $0xCFD0;
	(xrf0) =	vadd.scan.msk.s32 $0xffff, v5  }
0x45: {  	s30 =	simm.s32 $0xCFC0;
	v6 =	vld [tilespmem:s29+$0x0]  }
0x46: {  	v7 =	vld [tilespmem:s30+$0x0];
	_ =	sdelay $0x3  }
0x47: {  	(xrf0) =	vadd.scan.msk.s32 $0xffff, v6;
	v6, _, _ =	vpop (xrf0)  }
0x48: {  	(xrf0) =	vadd.scan.msk.s32 $0xffff, v7;
	(v2sf) =	vpush v6, $0xF;
	_ =	sdelay $0x4  }
0x49: {  	v7, _, _ =	vpop (xrf0)  }
0x4a: {  	v6, _, _ =	vpop (xrf0);
	s31 =	spop (v2sf);
	(v2sf) =	vpush v7, $0xF  }
0x4b: {  	(v2sf) =	vpush v6, $0xF  }
0x4c: {  	s4 =	simm.s32 $0xCFB0  }
0x4d: {  	v5 =	vld [tilespmem:s4+$0x0];
	s5 =	sadd.s32 $0x0, s31  }
0x4e: {  	p1 =	por $0x1, $0x1;
	p0 =	sgt.s32 s5, $0x3E7  }
0x4f: {  	s3 =	simm.s32 $0xFE;
	s9 =	simm.s32 $0xFD;
	p0 =	por !p1, !p0  }
0x50: {  	s8 =	simm.s32 $0xFC;
	s22 =	simm.s32 $0x0;
	p2 =	por !p0, !p0  }
0x51: {  	s2 =	simm.s32 $0xFB;
	s23 =	smov.u32 @p2 s1;
	p0 =	por !p2, !p2  }
0x52: {  	(xrf0) =	vadd.scan.msk.s32 $0xffff, v5;
	s1 =	simm.s32 $0xFA;
	s22 =	smov.u32 @p2 s22;
	p0 =	por @!p1 p2, p2  }
.LBB2_7:
0x53: {  	s4 =	sadd.s32 $0xFFFFFFF0, s4;
	s6 =	spop (v2sf);
	s0 =	smov.u32 @p0 s5  }
0x54: {  	s12 =	smov.u32 s8;
	s8 =	smov.u32 s2;
	s2 =	smov.u32 s1  }
0x55: {  	p1 =	seq.s32 s1, $0x0;
	s1 =	sadd.s32 $0xFFFFFFFF, s1;
	v5 =	vld [tilespmem:s4+$0x0];
	s5 =	sadd.s32 s0, s6  }
.Ltmp2:
0x56: {  	p2 =	slt.s32 s23, $0x0;
	p0 =	sgt.s32 s5, $0x3E7;
	(pc) =	sbr.rel @!p1 .LBB2_7-.Ltmp2, $4  }
0x57: {  	p0 =	por !p2, !p0  }
0x58: {  	p3 =	por !p0, !p0  }
0x59: {  	v6, _, _ =	vpop (xrf0);
	s23 =	smov.u32 @p3 s3;
	s22 =	smov.u32 @p3 s0;
	p0 =	por !p3, !p3  }
0x5a: {  	s3 =	smov.u32 s9;
	s9 =	smov.u32 s12;
	(xrf0) =	vadd.scan.msk.s32 $0xffff, v5;
	(v2sf) =	vpush v6, $0xF;
	p0 =	por @!p2 p3, p3  }
0x5b: {  	s1 =	spop (v2sf);
	s0 =	smov.u32 @p0 s5  }
0x5c: {  	s1 =	sadd.s32 s0, s1  }
0x5d: {  	p0 =	slt.s32 s23, $0x0;
	p1 =	sgt.s32 s1, $0x3E7  }
0x5e: {  	p1 =	por !p0, !p1  }
0x5f: {  	p1 =	por !p1, !p1  }
0x60: {  	v5, _, _ =	vpop (xrf0);
	p2 =	por !p1, !p1  }
0x61: {  	(v2sf) =	vpush v5, $0xF;
	p2 =	por @!p0 p1, p1  }
0x62: {  	s4 =	spop (v2sf);
	s22 =	smov.u32 @p1 s0;
	s0 =	smov.u32 @p2 s1  }
0x63: {  	s23 =	smov.u32 @p1 s3;
	s1 =	sadd.s32 s0, s4  }
0x64: {  	p0 =	slt.s32 s23, $0x0;
	p3 =	sgt.s32 s1, $0x3E7  }
0x65: {  	p1 =	por !p0, !p3  }
0x66: {  	p1 =	por !p1, !p1  }
0x67: {  	p2 =	por !p1, !p1  }
0x68: {  	p2 =	por @!p0 p1, p1  }
0x69: {  	s22 =	smov.u32 @p1 s0;
	s30 =	spop (v2sf);
	s0 =	smov.u32 @p2 s1  }
0x6a: {  	s23 =	smov.u32 @p1 s9;
	s1 =	sadd.s32 s0, s30  }
0x6b: {  	p0 =	slt.s32 s23, $0x0;
	p4 =	sgt.s32 s1, $0x3E7  }
0x6c: {  	p1 =	por !p0, !p4  }
0x6d: {  	p1 =	por !p1, !p1  }
0x6e: {  	p2 =	por !p1, !p1  }
0x6f: {  	p2 =	por @!p0 p1, p1  }
0x70: {  	s22 =	smov.u32 @p1 s0;
	s31 =	spop (v2sf);
	s0 =	smov.u32 @p2 s1  }
0x71: {  	s23 =	smov.u32 @p1 s8;
	s1 =	sadd.s32 s0, s31  }
0x72: {  	p5 =	slt.s32 s23, $0x0;
	p6 =	sgt.s32 s1, $0x3E7  }
0x73: {  	p0 =	por !p5, !p6  }
0x74: {  	s1 =	simm.s32 $0x0;
	p0 =	por !p0, !p0  }
0x75: {  	s23 =	smov.u32 @p0 s2;
	s22 =	smov.u32 @p0 s0;
	s0 =	simm.s32 $0x40  }
.LBB2_9:
0x76: {  	p0 =	seq.s32 s0, $0x3FC0;
	[tilespmem:s1+$0xC000] =	vst v0;
	s1 =	smov.u32 s0;
	s0 =	sadd.s32 $0x40, s0  }
.Ltmp3:
0x77: {  	(pc) =	sbr.rel @!p0 .LBB2_9-.Ltmp3, $2  }
0x78: {  	_ =	sdelay $0x2  }
0x79: {  	s1 =	sshra.s32 s1, $0x2  }
0x7a: {  	[tilespmem:s1+$0xC000] =	vst v0;
	s0 =	simm.s32 $0x40  }
0x7b: {  	v6 =	vld [tilespmem:s0+$0xFFFFFFC0]  }
0x7c: {  	v8 =	vld [tilespmem:s0+$0x30]  }
0x7d: {  	v7 =	vld [tilespmem:s0+$0xFFFFFFF0];
	_ =	sdelay $0x2  }
0x7e: {  	v5 =	vmov s23;
	v12 =	vld [tilespmem:s0+$0xFFFFFFE0];
	v9 =	vshrl.u32 v6, $0x18;
	v6 =	vshrl.u32 v6, $0xC  }
0x7f: {  	v10 =	vld [tilespmem:s0+$0x0];
	v11 =	vshrl.u32 v8, $0xC;
	vm0 =	veq.s32 v9, v5;
	v6 =	vand.u32 $0xFF0, v6  }
0x80: {  	v9 =	vshrl.u32 v7, $0xC;
	v7 =	vshrl.u32 v7, $0x18;
	v13 =	vor.u32 v1, v6  }
0x81: {  	v8 =	vshrl.u32 v8, $0x18;
	v9 =	vand.u32 $0xFF0, v9;
	v6 =	vld [tilespmem:s0+$0x20];
	vm1 =	veq.s32 v7, v5  }
0x82: {  	v14 =	vand.u32 $0xFF0, v11;
	vm2 =	veq.s32 v8, v5;
	v7 =	vld [tilespmem:s0+$0xFFFFFFD0];
	v9 =	vor.u32 v1, v9  }
0x83: {  	v8 =	vor.u32 v1, v14  }
0x84: {  	v15 =	vshrl.u32 v10, $0xC;
	v11 =	vshrl.u32 v12, $0xC;
	v14 =	vshrl.u32 v10, $0x18;
	v10 =	vld [tilespmem:s0+$0x10]  }
0x85: {  	s1 =	simm.s32 $0xC0;
	v12 =	vshrl.u32 v12, $0x18;
	s0 =	simm.s32 $0x0;
	[tilespmem:v13+s11+$0x0] =	vst.idx.add.s32.msk vm0, v2;
	vm0 =	veq.s32 v14, v5;
	v13 =	vand.u32 $0xFF0, v15  }
.LBB2_11:
0x86: {  	v14 =	vld [tilespmem:s1+$0xFFFFFFF0];
	s0 =	sadd.s32 $0x8, s0;
	vm5 =	veq.s32 v12, v5;
	v11 =	vand.u32 $0xFF0, v11;
	v12 =	vor.u32 v1, v13  }
0x87: {  	v13 =	vshrl.u32 v7, $0x18;
	p0 =	slt.u32 s0, $0xBF8;
	v11 =	vor.u32 v1, v11;
	[tilespmem:v9+s11+$0x0] =	vst.idx.add.s32.msk vm1, v2;
	v9 =	vshrl.u32 v6, $0x18  }
0x88: {  	vm4 =	veq.s32 v13, v5;
	v6 =	vshrl.u32 v6, $0xC;
	vm3 =	veq.s32 v9, v5;
	[tilespmem:v8+s11+$0x0] =	vst.idx.add.s32.msk vm2, v2  }
0x89: {  	v7 =	vshrl.u32 v7, $0xC;
	v6 =	vand.u32 $0xFF0, v6;
	v8 =	vld [tilespmem:s1+$0xFFFFFFC0];
	v9 =	vshrl.u32 v10, $0xC  }
0x8a: {  	v7 =	vand.u32 $0xFF0, v7;
	v10 =	vshrl.u32 v10, $0x18;
	v15 =	vor.u32 v1, v6;
	v13 =	vld [tilespmem:s1+$0x30]  }
0x8b: {  	vm6 =	veq.s32 v10, v5;
	v9 =	vand.u32 $0xFF0, v9;
	v16 =	vshrl.u32 v14, $0xC;
	v6 =	vld [tilespmem:s1+$0x20]  }
0x8c: {  	v17 =	vor.u32 v1, v7;
	v18 =	vor.u32 v1, v9;
	v10 =	vld [tilespmem:s1+$0xFFFFFFE0]  }
0x8d: {  	[tilespmem:v11+s11+$0x0] =	vst.idx.add.s32.msk vm5, v2  }
0x8e: {  	v7 =	vshrl.u32 v8, $0x18;
	v8 =	vshrl.u32 v8, $0xC;
	[tilespmem:v12+s11+$0x0] =	vst.idx.add.s32.msk vm0, v2  }
0x8f: {  	vm0 =	veq.s32 v7, v5;
	v7 =	vand.u32 $0xFF0, v8;
	v8 =	vshrl.u32 v14, $0x18;
	v14 =	vld [tilespmem:s1+$0x0]  }
0x90: {  	v9 =	vand.u32 $0xFF0, v16;
	v11 =	vshrl.u32 v13, $0xC;
	v19 =	vor.u32 v1, v7;
	v7 =	vld [tilespmem:s1+$0xFFFFFFD0]  }
.Ltmp4:
0x91: {  	vm1 =	veq.s32 v8, v5;
	v8 =	vshrl.u32 v13, $0x18;
	v12 =	vand.u32 $0xFF0, v11;
	[tilespmem:v17+s11+$0x0] =	vst.idx.add.s32.msk vm4, v2;
	(pc) =	sbr.rel @p0 .LBB2_11-.Ltmp4, $4  }
0x92: {  	v9 =	vor.u32 v1, v9;
	vm2 =	veq.s32 v8, v5;
	[tilespmem:v15+s11+$0x0] =	vst.idx.add.s32.msk vm3, v2  }
0x93: {  	v11 =	vshrl.u32 v10, $0xC;
	v8 =	vor.u32 v1, v12;
	[tilespmem:v18+s11+$0x0] =	vst.idx.add.s32.msk vm6, v2  }
0x94: {  	v12 =	vshrl.u32 v10, $0x18;
	v13 =	vshrl.u32 v14, $0x18;
	v14 =	vshrl.u32 v14, $0xC;
	v10 =	vld [tilespmem:s1+$0x10]  }
0x95: {  	s5 =	simm.s32 $0xFF;
	s2 =	simm.s32 $0xCFF0;
	s1 =	sadd.s32 $0x80, s1;
	[tilespmem:v19+s11+$0x0] =	vst.idx.add.s32.msk vm0, v2;
	vm0 =	veq.s32 v13, v5;
	v13 =	vand.u32 $0xFF0, v14  }
0x96: {  	vm3 =	veq.s32 v12, v5;
	v11 =	vand.u32 $0xFF0, v11;
	v60 =	vshrl.u32 v7, $0x18  }
0x97: {  	v13 =	vor.u32 v1, v13;
	v61 =	vshrl.u32 v6, $0x18;
	v7 =	vshrl.u32 v7, $0xC  }
0x98: {  	v6 =	vshrl.u32 v6, $0xC;
	vm4 =	veq.s32 v60, v5;
	v11 =	vor.u32 v1, v11  }
0x99: {  	vm5 =	veq.s32 v61, v5;
	v7 =	vand.u32 $0xFF0, v7;
	v6 =	vand.u32 $0xFF0, v6  }
0x9a: {  	v7 =	vor.u32 v1, v7;
	v62 =	vshrl.u32 v10, $0xC;
	v63 =	vshrl.u32 v10, $0x18  }
0x9b: {  	[tilespmem:v9+s11+$0x0] =	vst.idx.add.s32.msk vm1, v2;
	v6 =	vor.u32 v1, v6;
	vm15 =	veq.s32 v63, v5;
	v5 =	vand.u32 $0xFF0, v62  }
0x9c: {  	[tilespmem:v8+s11+$0x0] =	vst.idx.add.s32.msk vm2, v2;
	v5 =	vor.u32 v1, v5  }
0x9d: {  	[tilespmem:v13+s11+$0x0] =	vst.idx.add.s32.msk vm0, v2  }
0x9e: {  	[tilespmem:v11+s11+$0x0] =	vst.idx.add.s32.msk vm3, v2  }
0x9f: {  	[tilespmem:v7+s11+$0x0] =	vst.idx.add.s32.msk vm4, v2  }
0xa0: {  	[tilespmem:v6+s11+$0x0] =	vst.idx.add.s32.msk vm5, v2  }
0xa1: {  	[tilespmem:v5+s11+$0x0] =	vst.idx.add.s32.msk vm15, v2  }
0xa2: {  	v5 =	vld [tilespmem:s2+$0x0];
	_ =	sdelay $0x4  }
0xa3: {  	(xrf0) =	vadd.scan.msk.s32 $0xffff, v5;
	_ =	sdelay $0x5  }
0xa4: {  	v5, _, _ =	vpop (xrf0)  }
0xa5: {  	(v2sf) =	vpush v5, $0xF;
	_ =	sdelay $0x1  }
0xa6: {  	s0 =	simm.s32 $0xCFE0  }
0xa7: {  	v5 =	vld [tilespmem:s0+$0x0];
	_ =	sdelay $0x4  }
0xa8: {  	s30 =	simm.s32 $0xCFD0;
	(xrf0) =	vadd.scan.msk.s32 $0xffff, v5  }
0xa9: {  	v6 =	vld [tilespmem:s30+$0x0];
	_ =	sdelay $0x4  }
0xaa: {  	(xrf0) =	vadd.scan.msk.s32 $0xffff, v6;
	v6, _, _ =	vpop (xrf0)  }
0xab: {  	s6 =	spop (v2sf);
	(v2sf) =	vpush v6, $0xF;
	_ =	sdelay $0x4  }
0xac: {  	s31 =	sadd.s32 $0x0, s22;
	s4 =	simm.s32 $0xCFC0  }
0xad: {  	v5 =	vld [tilespmem:s4+$0x0];
	v6, _, _ =	vpop (xrf0);
	s0 =	sadd.s32 s6, s31  }
0xae: {  	p0 =	por $0x1, $0x1;
	(v2sf) =	vpush v6, $0xF;
	p1 =	sgt.s32 s0, $0x3E7  }
0xaf: {  	s8 =	simm.s32 $0x0;
	p1 =	por !p0, !p1  }
0xb0: {  	s3 =	simm.s32 $0xFE;
	s1 =	simm.s32 $0xFC;
	p1 =	por !p1, !p1  }
0xb1: {  	s24 =	simm.s32 $0x0;
	s0 =	simm.s32 $0xFFFFFFFF;
	p2 =	por !p1, !p1  }
0xb2: {  	s2 =	simm.s32 $0xFD;
	(xrf0) =	vadd.scan.msk.s32 $0xffff, v5;
	s0 =	smov.u32 @p1 s5;
	p2 =	por @!p0 p1, p1  }
0xb3: {  	s5 =	simm.s32 $0xFB;
	s24 =	smov.u32 @p1 s24;
	s6 =	simm.s32 @!p2 $0x0  }
.LBB2_13:
0xb4: {  	p0 =	seq.s32 s5, $0x0  }
0xb5: {  	s4 =	sadd.s32 $0xFFFFFFF0, s4;
	s8 =	sadd.s32 s8, s6;
	s9 =	smov.u32 s5  }
0xb6: {  	s5 =	sadd.s32 $0xFFFFFFFF, s5;
	v5 =	vld [tilespmem:s4+$0x0];
	s12 =	sadd.s32 s22, s8;
	s6 =	spop (v2sf)  }
0xb7: {  	s12 =	sadd.s32 s6, s12  }
0xb8: {  	p1 =	slt.s32 s0, $0x0;
	v6, _, _ =	vpop (xrf0);
	p2 =	sgt.s32 s12, $0x3E7  }
.Ltmp5:
0xb9: {  	(v2sf) =	vpush v6, $0xF;
	p2 =	por !p1, !p2;
	(pc) =	sbr.rel @!p0 .LBB2_13-.Ltmp5, $4  }
0xba: {  	p2 =	por !p2, !p2  }
0xbb: {  	(xrf0) =	vadd.scan.msk.s32 $0xffff, v5;
	s0 =	smov.u32 @p2 s3;
	s24 =	smov.u32 @p2 s8;
	p3 =	por !p2, !p2  }
0xbc: {  	s3 =	smov.u32 s2;
	s2 =	smov.u32 s1;
	p3 =	por @!p1 p2, p2  }
0xbd: {  	s1 =	smov.u32 s9;
	s6 =	simm.s32 @!p3 $0x0  }
0xbe: {  	s4 =	sadd.s32 s8, s6  }
0xbf: {  	s6 =	spop (v2sf);
	s5 =	sadd.s32 s22, s4  }
0xc0: {  	s5 =	sadd.s32 s6, s5  }
0xc1: {  	p1 =	slt.s32 s0, $0x0;
	v5, _, _ =	vpop (xrf0);
	p0 =	sgt.s32 s5, $0x3E7  }
0xc2: {  	(v2sf) =	vpush v5, $0xF;
	p0 =	por !p1, !p0  }
0xc3: {  	p0 =	por !p0, !p0  }
0xc4: {  	p2 =	por !p0, !p0  }
0xc5: {  	p2 =	por @!p1 p0, p0  }
0xc6: {  	s6 =	simm.s32 @!p2 $0x0  }
0xc7: {  	s5 =	sadd.s32 s4, s6  }
0xc8: {  	s6 =	sadd.s32 s22, s5;
	s8 =	spop (v2sf)  }
0xc9: {  	s0 =	smov.u32 @p0 s3;
	s28 =	sadd.s32 s8, s6  }
0xca: {  	p1 =	slt.s32 s0, $0x0;
	p3 =	sgt.s32 s28, $0x3E7  }
0xcb: {  	p2 =	por !p1, !p3  }
0xcc: {  	p2 =	por !p2, !p2  }
0xcd: {  	p3 =	por !p2, !p2  }
0xce: {  	p3 =	por @!p1 p2, p2  }
0xcf: {  	s8 =	simm.s32 @!p3 $0x0  }
0xd0: {  	s3 =	sadd.s32 s5, s8  }
0xd1: {  	s29 =	sadd.s32 s22, s3;
	s30 =	spop (v2sf)  }
0xd2: {  	s0 =	smov.u32 @p2 s2;
	s31 =	sadd.s32 s30, s29  }
0xd3: {  	p4 =	slt.s32 s0, $0x0;
	p5 =	sgt.s32 s31, $0x3E7  }
0xd4: {  	s24 =	smov.u32 @p0 s4;
	p6 =	por !p4, !p5  }
0xd5: {  	s24 =	smov.u32 @p2 s5;
	s2 =	simm.s32 $0x0;
	p0 =	por !p6, !p6  }
0xd6: {  	s0 =	smov.u32 @p0 s1;
	s24 =	smov.u32 @p0 s3;
	s1 =	simm.s32 $0x40  }
.LBB2_15:
0xd7: {  	p0 =	seq.s32 s1, $0x3FC0;
	[tilespmem:s2+$0xC000] =	vst v0;
	s2 =	smov.u32 s1;
	s1 =	sadd.s32 $0x40, s1  }
.Ltmp6:
0xd8: {  	(pc) =	sbr.rel @!p0 .LBB2_15-.Ltmp6, $2  }
0xd9: {  	_ =	sdelay $0x2  }
0xda: {  	s2 =	sshra.s32 s2, $0x2  }
0xdb: {  	[tilespmem:s2+$0xC000] =	vst v0;
	s31 =	simm.s32 $0x40  }
0xdc: {  	v6 =	vld [tilespmem:s31+$0xFFFFFFC0]  }
0xdd: {  	v8 =	vld [tilespmem:s31+$0x30]  }
0xde: {  	v7 =	vld [tilespmem:s31+$0xFFFFFFF0]  }
0xdf: {  	s1 =	sshll.u32 s23, $0x8  }
0xe0: {  	s23 =	sor.u32 s1, s0  }
0xe1: {  	v12 =	vld [tilespmem:s31+$0xFFFFFFE0];
	v5 =	vmov s23;
	v9 =	vshrl.u32 v6, $0x10;
	v6 =	vshrl.u32 v6, $0x4  }
0xe2: {  	v10 =	vld [tilespmem:s31+$0x0];
	v11 =	vshrl.u32 v8, $0x4;
	vm0 =	veq.s32 v9, v5;
	v6 =	vand.u32 $0xFF0, v6  }
0xe3: {  	v9 =	vshrl.u32 v7, $0x4;
	v7 =	vshrl.u32 v7, $0x10;
	v13 =	vor.u32 v1, v6  }
0xe4: {  	v8 =	vshrl.u32 v8, $0x10;
	v9 =	vand.u32 $0xFF0, v9;
	v6 =	vld [tilespmem:s31+$0x20];
	vm1 =	veq.s32 v7, v5  }
0xe5: {  	v14 =	vand.u32 $0xFF0, v11;
	vm2 =	veq.s32 v8, v5;
	v7 =	vld [tilespmem:s31+$0xFFFFFFD0];
	v9 =	vor.u32 v1, v9  }
0xe6: {  	v8 =	vor.u32 v1, v14  }
0xe7: {  	v15 =	vshrl.u32 v10, $0x4;
	v11 =	vshrl.u32 v12, $0x4;
	v14 =	vshrl.u32 v10, $0x10;
	v10 =	vld [tilespmem:s31+$0x10]  }
0xe8: {  	s0 =	simm.s32 $0x0;
	s1 =	simm.s32 $0xC0;
	v12 =	vshrl.u32 v12, $0x10;
	[tilespmem:v13+s11+$0x0] =	vst.idx.add.s32.msk vm0, v2;
	vm0 =	veq.s32 v14, v5;
	v13 =	vand.u32 $0xFF0, v15  }
.LBB2_17:
0xe9: {  	v14 =	vld [tilespmem:s1+$0xFFFFFFF0];
	s0 =	sadd.s32 $0x8, s0;
	vm5 =	veq.s32 v12, v5;
	v11 =	vand.u32 $0xFF0, v11;
	v12 =	vor.u32 v1, v13  }
0xea: {  	v13 =	vshrl.u32 v7, $0x10;
	p0 =	slt.u32 s0, $0xBF8;
	v11 =	vor.u32 v1, v11;
	[tilespmem:v9+s11+$0x0] =	vst.idx.add.s32.msk vm1, v2;
	v9 =	vshrl.u32 v6, $0x10  }
0xeb: {  	vm4 =	veq.s32 v13, v5;
	v6 =	vshrl.u32 v6, $0x4;
	vm3 =	veq.s32 v9, v5;
	[tilespmem:v8+s11+$0x0] =	vst.idx.add.s32.msk vm2, v2  }
0xec: {  	v7 =	vshrl.u32 v7, $0x4;
	v6 =	vand.u32 $0xFF0, v6;
	v8 =	vld [tilespmem:s1+$0xFFFFFFC0];
	v9 =	vshrl.u32 v10, $0x4  }
0xed: {  	v7 =	vand.u32 $0xFF0, v7;
	v10 =	vshrl.u32 v10, $0x10;
	v15 =	vor.u32 v1, v6;
	v13 =	vld [tilespmem:s1+$0x30]  }
0xee: {  	vm6 =	veq.s32 v10, v5;
	v9 =	vand.u32 $0xFF0, v9;
	v16 =	vshrl.u32 v14, $0x4;
	v6 =	vld [tilespmem:s1+$0x20]  }
0xef: {  	v17 =	vor.u32 v1, v7;
	v18 =	vor.u32 v1, v9;
	v10 =	vld [tilespmem:s1+$0xFFFFFFE0]  }
0xf0: {  	[tilespmem:v11+s11+$0x0] =	vst.idx.add.s32.msk vm5, v2  }
0xf1: {  	v7 =	vshrl.u32 v8, $0x10;
	v8 =	vshrl.u32 v8, $0x4;
	[tilespmem:v12+s11+$0x0] =	vst.idx.add.s32.msk vm0, v2  }
0xf2: {  	vm0 =	veq.s32 v7, v5;
	v7 =	vand.u32 $0xFF0, v8;
	v8 =	vshrl.u32 v14, $0x10;
	v14 =	vld [tilespmem:s1+$0x0]  }
0xf3: {  	v9 =	vand.u32 $0xFF0, v16;
	v11 =	vshrl.u32 v13, $0x4;
	v19 =	vor.u32 v1, v7;
	v7 =	vld [tilespmem:s1+$0xFFFFFFD0]  }
.Ltmp7:
0xf4: {  	vm1 =	veq.s32 v8, v5;
	v8 =	vshrl.u32 v13, $0x10;
	v12 =	vand.u32 $0xFF0, v11;
	[tilespmem:v17+s11+$0x0] =	vst.idx.add.s32.msk vm4, v2;
	(pc) =	sbr.rel @p0 .LBB2_17-.Ltmp7, $4  }
0xf5: {  	v9 =	vor.u32 v1, v9;
	vm2 =	veq.s32 v8, v5;
	[tilespmem:v15+s11+$0x0] =	vst.idx.add.s32.msk vm3, v2  }
0xf6: {  	v11 =	vshrl.u32 v10, $0x4;
	v8 =	vor.u32 v1, v12;
	[tilespmem:v18+s11+$0x0] =	vst.idx.add.s32.msk vm6, v2  }
0xf7: {  	v12 =	vshrl.u32 v10, $0x10;
	v13 =	vshrl.u32 v14, $0x10;
	v14 =	vshrl.u32 v14, $0x4;
	v10 =	vld [tilespmem:s1+$0x10]  }
0xf8: {  	s1 =	sadd.s32 $0x80, s1;
	[tilespmem:v19+s11+$0x0] =	vst.idx.add.s32.msk vm0, v2;
	vm0 =	veq.s32 v13, v5;
	v13 =	vand.u32 $0xFF0, v14  }
0xf9: {  	vm3 =	veq.s32 v12, v5;
	v11 =	vand.u32 $0xFF0, v11;
	v60 =	vshrl.u32 v7, $0x10  }
0xfa: {  	v13 =	vor.u32 v1, v13;
	v61 =	vshrl.u32 v6, $0x10;
	v7 =	vshrl.u32 v7, $0x4  }
0xfb: {  	v6 =	vshrl.u32 v6, $0x4;
	vm4 =	veq.s32 v60, v5;
	v11 =	vor.u32 v1, v11  }
0xfc: {  	vm5 =	veq.s32 v61, v5;
	v7 =	vand.u32 $0xFF0, v7;
	v6 =	vand.u32 $0xFF0, v6  }
0xfd: {  	v7 =	vor.u32 v1, v7;
	v62 =	vshrl.u32 v10, $0x4;
	v63 =	vshrl.u32 v10, $0x10  }
0xfe: {  	[tilespmem:v9+s11+$0x0] =	vst.idx.add.s32.msk vm1, v2;
	v6 =	vor.u32 v1, v6;
	vm15 =	veq.s32 v63, v5;
	v5 =	vand.u32 $0xFF0, v62  }
0xff: {  	[tilespmem:v8+s11+$0x0] =	vst.idx.add.s32.msk vm2, v2;
	v5 =	vor.u32 v1, v5  }
0x100: {  	[tilespmem:v13+s11+$0x0] =	vst.idx.add.s32.msk vm0, v2  }
0x101: {  	[tilespmem:v11+s11+$0x0] =	vst.idx.add.s32.msk vm3, v2  }
0x102: {  	[tilespmem:v7+s11+$0x0] =	vst.idx.add.s32.msk vm4, v2  }
0x103: {  	[tilespmem:v6+s11+$0x0] =	vst.idx.add.s32.msk vm5, v2  }
0x104: {  	s0 =	simm.s32 $0xCFF0;
	[tilespmem:v5+s11+$0x0] =	vst.idx.add.s32.msk vm15, v2  }
0x105: {  	v5 =	vld [tilespmem:s0+$0x0];
	_ =	sdelay $0x4  }
0x106: {  	(xrf0) =	vadd.scan.msk.s32 $0xffff, v5;
	_ =	sdelay $0x5  }
0x107: {  	v5, _, _ =	vpop (xrf0)  }
0x108: {  	(v2sf) =	vpush v5, $0xF;
	_ =	sdelay $0x1  }
0x109: {  	s29 =	simm.s32 $0xCFE0  }
0x10a: {  	v5 =	vld [tilespmem:s29+$0x0];
	_ =	sdelay $0x4  }
0x10b: {  	s30 =	simm.s32 $0xCFD0;
	(xrf0) =	vadd.scan.msk.s32 $0xffff, v5  }
0x10c: {  	v6 =	vld [tilespmem:s30+$0x0];
	_ =	sdelay $0x4  }
0x10d: {  	(xrf0) =	vadd.scan.msk.s32 $0xffff, v6;
	v6, _, _ =	vpop (xrf0)  }
0x10e: {  	s5 =	spop (v2sf);
	(v2sf) =	vpush v6, $0xF;
	_ =	sdelay $0x3  }
0x10f: {  	s22 =	sadd.s32 s22, s24  }
0x110: {  	s4 =	simm.s32 $0xCFC0;
	s31 =	sadd.s32 $0x0, s22  }
0x111: {  	v5 =	vld [tilespmem:s4+$0x0];
	v6, _, _ =	vpop (xrf0);
	s0 =	sadd.s32 s5, s31  }
0x112: {  	p0 =	por $0x1, $0x1;
	(v2sf) =	vpush v6, $0xF;
	p1 =	sgt.s32 s0, $0x3E7  }
0x113: {  	s6 =	simm.s32 $0x0;
	s8 =	simm.s32 $0xFF;
	p1 =	por !p0, !p1  }
0x114: {  	s3 =	simm.s32 $0xFE;
	s2 =	simm.s32 $0xFD;
	p1 =	por !p1, !p1  }
0x115: {  	s1 =	simm.s32 $0xFC;
	s0 =	simm.s32 $0xFFFFFFFF;
	p2 =	por !p1, !p1  }
0x116: {  	s25 =	simm.s32 $0x0;
	(xrf0) =	vadd.scan.msk.s32 $0xffff, v5;
	s0 =	smov.u32 @p1 s8;
	p2 =	por @!p0 p1, p1  }
0x117: {  	s8 =	simm.s32 $0xFB;
	s25 =	smov.u32 @p1 s25;
	s5 =	simm.s32 @!p2 $0x0  }
.LBB2_19:
0x118: {  	p0 =	seq.s32 s8, $0x0  }
0x119: {  	s4 =	sadd.s32 $0xFFFFFFF0, s4;
	s6 =	sadd.s32 s6, s5;
	s9 =	smov.u32 s8  }
0x11a: {  	s8 =	sadd.s32 $0xFFFFFFFF, s8;
	v5 =	vld [tilespmem:s4+$0x0];
	s12 =	sadd.s32 s22, s6;
	s5 =	spop (v2sf)  }
0x11b: {  	s12 =	sadd.s32 s5, s12  }
0x11c: {  	p1 =	slt.s32 s0, $0x0;
	v6, _, _ =	vpop (xrf0);
	p2 =	sgt.s32 s12, $0x3E7  }
.Ltmp8:
0x11d: {  	(v2sf) =	vpush v6, $0xF;
	p2 =	por !p1, !p2;
	(pc) =	sbr.rel @!p0 .LBB2_19-.Ltmp8, $4  }
0x11e: {  	p2 =	por !p2, !p2  }
0x11f: {  	(xrf0) =	vadd.scan.msk.s32 $0xffff, v5;
	s0 =	smov.u32 @p2 s3;
	s25 =	smov.u32 @p2 s6;
	p3 =	por !p2, !p2  }
0x120: {  	s3 =	smov.u32 s2;
	s2 =	smov.u32 s1;
	p3 =	por @!p1 p2, p2  }
0x121: {  	s1 =	smov.u32 s9;
	s5 =	simm.s32 @!p3 $0x0  }
0x122: {  	s4 =	sadd.s32 s6, s5  }
0x123: {  	s6 =	spop (v2sf);
	s5 =	sadd.s32 s22, s4  }
0x124: {  	s5 =	sadd.s32 s6, s5  }
0x125: {  	p1 =	slt.s32 s0, $0x0;
	v5, _, _ =	vpop (xrf0);
	p0 =	sgt.s32 s5, $0x3E7  }
0x126: {  	(v2sf) =	vpush v5, $0xF;
	p0 =	por !p1, !p0  }
0x127: {  	p0 =	por !p0, !p0  }
0x128: {  	p2 =	por !p0, !p0  }
0x129: {  	p2 =	por @!p1 p0, p0  }
0x12a: {  	s6 =	simm.s32 @!p2 $0x0  }
0x12b: {  	s5 =	sadd.s32 s4, s6  }
0x12c: {  	s6 =	sadd.s32 s22, s5;
	s8 =	spop (v2sf)  }
0x12d: {  	s0 =	smov.u32 @p0 s3;
	s28 =	sadd.s32 s8, s6  }
0x12e: {  	p1 =	slt.s32 s0, $0x0;
	p3 =	sgt.s32 s28, $0x3E7  }
0x12f: {  	p2 =	por !p1, !p3  }
0x130: {  	p2 =	por !p2, !p2  }
0x131: {  	p3 =	por !p2, !p2  }
0x132: {  	p3 =	por @!p1 p2, p2  }
0x133: {  	s8 =	simm.s32 @!p3 $0x0  }
0x134: {  	s3 =	sadd.s32 s5, s8  }
0x135: {  	s29 =	sadd.s32 s22, s3;
	s30 =	spop (v2sf)  }
0x136: {  	s0 =	smov.u32 @p2 s2;
	s31 =	sadd.s32 s30, s29  }
0x137: {  	p4 =	slt.s32 s0, $0x0;
	p5 =	sgt.s32 s31, $0x3E7  }
0x138: {  	s25 =	smov.u32 @p0 s4;
	p6 =	por !p4, !p5  }
0x139: {  	s25 =	smov.u32 @p2 s5;
	s2 =	simm.s32 $0x0;
	p0 =	por !p6, !p6  }
0x13a: {  	s0 =	smov.u32 @p0 s1;
	s25 =	smov.u32 @p0 s3;
	s1 =	simm.s32 $0x40  }
.LBB2_21:
0x13b: {  	p0 =	seq.s32 s1, $0x3FC0;
	[tilespmem:s2+$0xC000] =	vst v0;
	s2 =	smov.u32 s1;
	s1 =	sadd.s32 $0x40, s1  }
.Ltmp9:
0x13c: {  	(pc) =	sbr.rel @!p0 .LBB2_21-.Ltmp9, $2  }
0x13d: {  	_ =	sdelay $0x2  }
0x13e: {  	s2 =	sshra.s32 s2, $0x2  }
0x13f: {  	[tilespmem:s2+$0xC000] =	vst v0;
	s31 =	simm.s32 $0x40  }
0x140: {  	v6 =	vld [tilespmem:s31+$0xFFFFFFC0]  }
0x141: {  	v8 =	vld [tilespmem:s31+$0x30]  }
0x142: {  	v7 =	vld [tilespmem:s31+$0xFFFFFFF0]  }
0x143: {  	s1 =	sshll.u32 s23, $0x8  }
0x144: {  	s24 =	sor.u32 s1, s0  }
0x145: {  	v5 =	vmov s24;
	v9 =	vshrl.u32 v6, $0x8;
	v6 =	vshll.u32 v6, $0x4  }
0x146: {  	v12 =	vld [tilespmem:s31+$0xFFFFFFE0];
	v10 =	vshll.u32 v8, $0x4;
	vm2 =	veq.s32 v9, v5;
	v6 =	vor.u32 v1, v6  }
0x147: {  	v15 =	vld [tilespmem:s31+$0x0];
	v9 =	vshll.u32 v7, $0x4;
	v7 =	vshrl.u32 v7, $0x8;
	v13 =	vand.u32 v3, v6  }
0x148: {  	v8 =	vshrl.u32 v8, $0x8;
	v9 =	vor.u32 v1, v9;
	vm1 =	veq.s32 v7, v5  }
0x149: {  	v14 =	vor.u32 v1, v10;
	vm0 =	veq.s32 v8, v5;
	v6 =	vld [tilespmem:s31+$0x20];
	v10 =	vand.u32 v3, v9  }
0x14a: {  	v7 =	vld [tilespmem:s31+$0x10];
	v9 =	vand.u32 v3, v14  }
0x14b: {  	v11 =	vshll.u32 v12, $0x4;
	v8 =	vld [tilespmem:s31+$0xFFFFFFD0]  }
0x14c: {  	s0 =	simm.s32 $0x0;
	s1 =	simm.s32 $0xC0;
	v14 =	vshrl.u32 v12, $0x8;
	v12 =	vshrl.u32 v15, $0x8;
	[tilespmem:v13+s11+$0x0] =	vst.idx.add.s32.msk vm2, v2;
	v13 =	vshll.u32 v15, $0x4  }
.LBB2_23:
0x14d: {  	v15 =	vld [tilespmem:s1+$0xFFFFFFF0];
	s0 =	sadd.s32 $0x8, s0;
	vm4 =	veq.s32 v14, v5;
	v11 =	vor.u32 v1, v11  }
0x14e: {  	p0 =	slt.u32 s0, $0xBF8;
	v11 =	vand.u32 v3, v11;
	[tilespmem:v10+s11+$0x0] =	vst.idx.add.s32.msk vm1, v2;
	v10 =	vor.u32 v1, v13;
	v13 =	vshrl.u32 v6, $0x8  }
0x14f: {  	vm1 =	veq.s32 v12, v5;
	v12 =	vshll.u32 v7, $0x4;
	v6 =	vshll.u32 v6, $0x4;
	[tilespmem:v9+s11+$0x0] =	vst.idx.add.s32.msk vm0, v2  }
0x150: {  	v7 =	vshrl.u32 v7, $0x8;
	v10 =	vand.u32 v3, v10;
	vm2 =	veq.s32 v13, v5;
	v9 =	vld [tilespmem:s1+$0xFFFFFFC0]  }
0x151: {  	vm0 =	veq.s32 v7, v5;
	v7 =	vor.u32 v1, v6;
	v14 =	vshrl.u32 v8, $0x8;
	v13 =	vld [tilespmem:s1+$0x30]  }
0x152: {  	v12 =	vor.u32 v1, v12;
	vm3 =	veq.s32 v14, v5;
	v16 =	vshll.u32 v15, $0x4;
	v6 =	vld [tilespmem:s1+$0x20]  }
0x153: {  	v8 =	vshll.u32 v8, $0x4;
	v12 =	vand.u32 v3, v12;
	v17 =	vand.u32 v3, v7;
	v14 =	vld [tilespmem:s1+$0xFFFFFFE0]  }
0x154: {  	v7 =	vor.u32 v1, v8;
	[tilespmem:v11+s11+$0x0] =	vst.idx.add.s32.msk vm4, v2  }
0x155: {  	v18 =	vand.u32 v3, v7;
	v8 =	vshrl.u32 v9, $0x8;
	v9 =	vshll.u32 v9, $0x4;
	[tilespmem:v10+s11+$0x0] =	vst.idx.add.s32.msk vm1, v2  }
0x156: {  	vm4 =	veq.s32 v8, v5;
	v8 =	vor.u32 v1, v9;
	v9 =	vshrl.u32 v15, $0x8;
	v7 =	vld [tilespmem:s1+$0x10]  }
0x157: {  	v10 =	vshll.u32 v13, $0x4;
	v15 =	vand.u32 v3, v8;
	v8 =	vor.u32 v1, v16;
	v16 =	vld [tilespmem:s1+$0x0]  }
.Ltmp10:
0x158: {  	vm1 =	veq.s32 v9, v5;
	v9 =	vshrl.u32 v13, $0x8;
	v13 =	vor.u32 v1, v10;
	[tilespmem:v12+s11+$0x0] =	vst.idx.add.s32.msk vm0, v2;
	(pc) =	sbr.rel @p0 .LBB2_23-.Ltmp10, $4  }
0x159: {  	v10 =	vand.u32 v3, v8;
	vm0 =	veq.s32 v9, v5;
	[tilespmem:v17+s11+$0x0] =	vst.idx.add.s32.msk vm2, v2  }
0x15a: {  	v11 =	vshll.u32 v14, $0x4;
	v9 =	vand.u32 v3, v13;
	[tilespmem:v18+s11+$0x0] =	vst.idx.add.s32.msk vm3, v2  }
0x15b: {  	v14 =	vshrl.u32 v14, $0x8;
	v8 =	vld [tilespmem:s1+$0xFFFFFFD0]  }
0x15c: {  	s1 =	sadd.s32 $0x80, s1;
	[tilespmem:v15+s11+$0x0] =	vst.idx.add.s32.msk vm4, v2;
	v12 =	vshrl.u32 v16, $0x8;
	v13 =	vshll.u32 v16, $0x4  }
0x15d: {  	vm2 =	veq.s32 v14, v5;
	v11 =	vor.u32 v1, v11  }
0x15e: {  	v13 =	vor.u32 v1, v13;
	v60 =	vshrl.u32 v6, $0x8;
	vm3 =	veq.s32 v12, v5  }
0x15f: {  	v61 =	vshll.u32 v7, $0x4;
	v6 =	vshll.u32 v6, $0x4;
	v7 =	vshrl.u32 v7, $0x8  }
0x160: {  	v11 =	vand.u32 v3, v11;
	v13 =	vand.u32 v3, v13;
	vm4 =	veq.s32 v60, v5  }
0x161: {  	vm5 =	veq.s32 v7, v5;
	v7 =	vor.u32 v1, v61;
	v6 =	vor.u32 v1, v6  }
0x162: {  	[tilespmem:v10+s11+$0x0] =	vst.idx.add.s32.msk vm1, v2;
	v7 =	vand.u32 v3, v7;
	v62 =	vshrl.u32 v8, $0x8;
	v63 =	vshll.u32 v8, $0x4  }
0x163: {  	vm15 =	veq.s32 v62, v5;
	v5 =	vand.u32 v3, v6;
	v6 =	vor.u32 v1, v63  }
0x164: {  	[tilespmem:v9+s11+$0x0] =	vst.idx.add.s32.msk vm0, v2;
	v6 =	vand.u32 v3, v6  }
0x165: {  	[tilespmem:v11+s11+$0x0] =	vst.idx.add.s32.msk vm2, v2  }
0x166: {  	[tilespmem:v13+s11+$0x0] =	vst.idx.add.s32.msk vm3, v2  }
0x167: {  	[tilespmem:v7+s11+$0x0] =	vst.idx.add.s32.msk vm5, v2  }
0x168: {  	[tilespmem:v5+s11+$0x0] =	vst.idx.add.s32.msk vm4, v2  }
0x169: {  	s0 =	simm.s32 $0xCFF0;
	[tilespmem:v6+s11+$0x0] =	vst.idx.add.s32.msk vm15, v2  }
0x16a: {  	v5 =	vld [tilespmem:s0+$0x0];
	_ =	sdelay $0x4  }
0x16b: {  	(xrf0) =	vadd.scan.msk.s32 $0xffff, v5;
	_ =	sdelay $0x5  }
0x16c: {  	v5, _, _ =	vpop (xrf0)  }
0x16d: {  	(v2sf) =	vpush v5, $0xF;
	_ =	sdelay $0x1  }
0x16e: {  	s29 =	simm.s32 $0xCFE0  }
0x16f: {  	v5 =	vld [tilespmem:s29+$0x0];
	_ =	sdelay $0x4  }
0x170: {  	s30 =	simm.s32 $0xCFD0;
	(xrf0) =	vadd.scan.msk.s32 $0xffff, v5  }
0x171: {  	v6 =	vld [tilespmem:s30+$0x0];
	_ =	sdelay $0x4  }
0x172: {  	(xrf0) =	vadd.scan.msk.s32 $0xffff, v6;
	v6, _, _ =	vpop (xrf0)  }
0x173: {  	s5 =	spop (v2sf);
	(v2sf) =	vpush v6, $0xF;
	_ =	sdelay $0x3  }
0x174: {  	s22 =	sadd.s32 s22, s25  }
0x175: {  	s4 =	simm.s32 $0xCFC0;
	s31 =	sadd.s32 $0x0, s22  }
0x176: {  	v5 =	vld [tilespmem:s4+$0x0];
	v6, _, _ =	vpop (xrf0);
	s0 =	sadd.s32 s5, s31  }
0x177: {  	p0 =	por $0x1, $0x1;
	(v2sf) =	vpush v6, $0xF;
	p1 =	sgt.s32 s0, $0x3E7  }
0x178: {  	s6 =	simm.s32 $0x0;
	s8 =	simm.s32 $0xFF;
	p1 =	por !p0, !p1  }
0x179: {  	s3 =	simm.s32 $0xFE;
	s2 =	simm.s32 $0xFD;
	p1 =	por !p1, !p1  }
0x17a: {  	s1 =	simm.s32 $0xFC;
	s0 =	simm.s32 $0xFFFFFFFF;
	p2 =	por !p1, !p1  }
0x17b: {  	s23 =	simm.s32 $0x0;
	(xrf0) =	vadd.scan.msk.s32 $0xffff, v5;
	s0 =	smov.u32 @p1 s8;
	p2 =	por @!p0 p1, p1  }
0x17c: {  	s8 =	simm.s32 $0xFB;
	s23 =	smov.u32 @p1 s23;
	s5 =	simm.s32 @!p2 $0x0  }
.LBB2_25:
0x17d: {  	p0 =	sne.s32 s8, $0x0  }
0x17e: {  	s4 =	sadd.s32 $0xFFFFFFF0, s4;
	s6 =	sadd.s32 s6, s5;
	s9 =	smov.u32 s8  }
0x17f: {  	s8 =	sadd.s32 $0xFFFFFFFF, s8;
	v5 =	vld [tilespmem:s4+$0x0];
	s12 =	sadd.s32 s22, s6;
	s5 =	spop (v2sf)  }
0x180: {  	s12 =	sadd.s32 s5, s12  }
0x181: {  	p1 =	slt.s32 s0, $0x0;
	v6, _, _ =	vpop (xrf0);
	p2 =	sgt.s32 s12, $0x3E7  }
.Ltmp11:
0x182: {  	(v2sf) =	vpush v6, $0xF;
	p2 =	por !p1, !p2;
	(pc) =	sbr.rel @p0 .LBB2_25-.Ltmp11, $4  }
0x183: {  	p2 =	por !p2, !p2  }
0x184: {  	(xrf0) =	vadd.scan.msk.s32 $0xffff, v5;
	s0 =	smov.u32 @p2 s3;
	s23 =	smov.u32 @p2 s6;
	p3 =	por !p2, !p2  }
0x185: {  	s3 =	smov.u32 s2;
	s2 =	smov.u32 s1;
	p3 =	por @!p1 p2, p2  }
0x186: {  	s1 =	smov.u32 s9;
	s5 =	simm.s32 @!p3 $0x0  }
0x187: {  	s4 =	sadd.s32 s6, s5  }
0x188: {  	s6 =	spop (v2sf);
	s5 =	sadd.s32 s22, s4  }
0x189: {  	s5 =	sadd.s32 s6, s5  }
0x18a: {  	p1 =	slt.s32 s0, $0x0;
	v5, _, _ =	vpop (xrf0);
	p0 =	sgt.s32 s5, $0x3E7  }
0x18b: {  	(v2sf) =	vpush v5, $0xF;
	p0 =	por !p1, !p0  }
0x18c: {  	p0 =	por !p0, !p0  }
0x18d: {  	p2 =	por !p0, !p0  }
0x18e: {  	p2 =	por @!p1 p0, p0  }
0x18f: {  	s6 =	simm.s32 @!p2 $0x0  }
0x190: {  	s5 =	sadd.s32 s4, s6  }
0x191: {  	s6 =	sadd.s32 s22, s5;
	s8 =	spop (v2sf)  }
0x192: {  	s0 =	smov.u32 @p0 s3;
	s26 =	sadd.s32 s8, s6  }
0x193: {  	p2 =	slt.s32 s0, $0x0;
	p3 =	sgt.s32 s26, $0x3E7  }
0x194: {  	p1 =	por !p2, !p3  }
0x195: {  	p1 =	por !p1, !p1  }
0x196: {  	p3 =	por !p1, !p1  }
0x197: {  	p3 =	por @!p2 p1, p1  }
0x198: {  	s8 =	simm.s32 @!p3 $0x0  }
0x199: {  	s9 =	smulhi.u32 $0xCCCCCCCD, s20;
	s3 =	sadd.s32 s5, s8  }
0x19a: {  	s28 =	sadd.s32 s22, s3;
	s29 =	spop (v2sf)  }
0x19b: {  	s31 =	sshrl.u32 s9, $0x6;
	s0 =	smov.u32 @p1 s2;
	s30 =	sadd.s32 s29, s28  }
0x19c: {  	s2 =	smul.u32 $0xBFD0, s31;
	p4 =	slt.s32 s0, $0x0;
	p5 =	sgt.s32 s30, $0x3E7  }
0x19d: {  	s23 =	smov.u32 @p0 s4;
	p6 =	por !p4, !p5  }
0x19e: {  	s23 =	smov.u32 @p1 s5;
	v5 =	vmov s2;
	s2 =	simm.s32 $0x0;
	p0 =	por !p6, !p6  }
0x19f: {  	s0 =	smov.u32 @p0 s1;
	s23 =	smov.u32 @p0 s3;
	s1 =	simm.s32 $0x40  }
.LBB2_27:
0x1a0: {  	p0 =	seq.s32 s1, $0x1FC0;
	[tilespmem:s2+$0xD000] =	vst v4;
	s3 =	smov.u32 s1;
	s1 =	sadd.s32 $0x40, s1  }
.Ltmp12:
0x1a1: {  	[tilespmem:s2+$0xD800] =	vst v5;
	(pc) =	sbr.rel @!p0 .LBB2_27-.Ltmp12, $2  }
0x1a2: {  	_ =	sdelay $0x2  }
0x1a3: {  	s2 =	sshra.s32 s3, $0x2  }
0x1a4: {  	[tilespmem:s2+$0xD000] =	vst v4;
	s1 =	sshll.u32 s24, $0x8;
	s24 =	simm.s32 $0x0;
	s25 =	simm.s32 $0x20  }
0x1a5: {  	[tilespmem:s2+$0xD800] =	vst v5;
	s3 =	sand.u32 $0xFF80, s24;
	s2 =	sand.u32 $0x60, s25  }
0x1a6: {  	s4 =	simm.s32 $0x10;
	s2 =	sadd.s32 s2, s3  }
0x1a7: {  	s0 =	sor.u32 s1, s0;
	s1 =	sand.u32 $0xFFC0, s24;
	s4 =	sand.u32 $0x50, s4;
	v9 =	vld [tilespmem:s2+$0x0]  }
0x1a8: {  	v15 =	vld [tilespmem:s1+$0x0];
	s2 =	sadd.s32 s4, s3  }
0x1a9: {  	s17 =	simm.s32 $0x30;
	v17 =	vld [tilespmem:s2+$0x0]  }
0x1aa: {  	v5 =	vmov s0;
	s0 =	sand.u32 $0x70, s17  }
0x1ab: {  	s0 =	sadd.s32 s0, s3  }
0x1ac: {  	v10 =	vld [tilespmem:s0+$0x0];
	vm1 =	vlt.s32 v5, v9  }
0x1ad: {  	vm2 =	veq.s32 v5, v15;
	v6 =	vsel vm1, $0x1, v0  }
0x1ae: {  	vm0 =	vlt.s32 v5, v17;
	(xrf0) =	vadd.scan.msk.s32 $0xffff, v6;
	v6 =	vsel vm2, $0x1, v0  }
0x1af: {  	vm3 =	veq.s32 v5, v17;
	v7 =	vsel vm0, $0x1, v0;
	(xrf0) =	vadd.scan.msk.s32 $0xffff, v6  }
0x1b0: {  	vm2 =	vlt.s32 v5, v15;
	v6 =	vsel vm3, $0x1, v0;
	(xrf0) =	vadd.scan.msk.s32 $0xffff, v7  }
0x1b1: {  	vm4 =	veq.s32 v5, v10;
	v7 =	vsel vm2, $0x1, v0;
	(xrf0) =	vadd.scan.msk.s32 $0xffff, v6  }
0x1b2: {  	v6 =	vsel vm4, $0x1, v0;
	(xrf0) =	vadd.scan.msk.s32 $0xffff, v7  }
0x1b3: {  	vm4 =	veq.s32 v5, v9  }
0x1b4: {  	s3 =	simm.s32 $0x40;
	s4 =	simm.s32 $0x60;
	vm3 =	vlt.s32 v5, v10;
	v11 =	vsel vm4, $0x1, v0;
	v7, _, _ =	vpop (xrf0)  }
0x1b5: {  	s5 =	sand.u32 $0xFF80, s3;
	s1 =	sand.u32 $0x60, s4;
	v8 =	vsel vm3, $0x1, v0;
	(xrf0) =	vadd.scan.msk.s32 $0xffff, v6;
	v6, _, _ =	vpop (xrf0)  }
0x1b6: {  	s1 =	sadd.s32 s1, s5;
	(v2sf) =	vpush v7, $0xF;
	(xrf0) =	vadd.scan.msk.s32 $0xffff, v8;
	v7, _, _ =	vpop (xrf0)  }
0x1b7: {  	s6 =	simm.s32 $0x50;
	(xrf0) =	vadd.scan.msk.s32 $0xffff, v11;
	(v2sf) =	vpush v6, $0xF;
	v6 =	vld [tilespmem:s1+$0x0];
	v11, _, _ =	vpop (xrf0)  }
0x1b8: {  	s7 =	sand.u32 $0x50, s6;
	s0 =	sand.u32 $0xFFC0, s3;
	v8, _, _ =	vpop (xrf0)  }
0x1b9: {  	v12 =	vld [tilespmem:s0+$0x0];
	s8 =	sadd.s32 s7, s5;
	(v2sf) =	vpush v8, $0xF  }
0x1ba: {  	s24 =	simm.s32 $0x70;
	v8 =	vld [tilespmem:s8+$0x0];
	(v2sf) =	vpush v7, $0xF  }
0x1bb: {  	s9 =	sand.u32 $0x70, s24;
	v13, _, _ =	vpop (xrf0)  }
0x1bc: {  	s0 =	sadd.s32 s9, s5;
	v14, _, _ =	vpop (xrf0);
	vm5 =	vlt.s32 v5, v6;
	(v2sf) =	vpush v11, $0xF  }
0x1bd: {  	v7 =	vld [tilespmem:s0+$0x0];
	v11, _, _ =	vpop (xrf0);
	v16 =	vsel vm5, $0x1, v0  }
0x1be: {  	vm6 =	veq.s32 v5, v12;
	(v2sf) =	vpush v11, $0xF;
	(xrf0) =	vadd.scan.msk.s32 $0xffff, v16  }
0x1bf: {  	v11 =	vsel vm6, $0x1, v0;
	vm4 =	vlt.s32 v5, v8;
	(v2sf) =	vpush v14, $0xF  }
0x1c0: {  	vm8 =	vlt.s32 v5, v12;
	vm6 =	veq.s32 v5, v8;
	(xrf0) =	vadd.scan.msk.s32 $0xffff, v11;
	v14 =	vsel vm4, $0x1, v0  }
0x1c1: {  	v11 =	vsel vm6, $0x1, v0;
	(xrf0) =	vadd.scan.msk.s32 $0xffff, v14;
	v14 =	vsel vm8, $0x1, v0  }
0x1c2: {  	s10 =	sadd.s32 $0x0, s21;
	s14 =	simm.s32 $0x80;
	s15 =	simm.s32 $0x90;
	vm7 =	veq.s32 v5, v7;
	(v2sf) =	vpush v13, $0xF;
	vm6 =	vlt.s32 v5, v7;
	(xrf0) =	vadd.scan.msk.s32 $0xffff, v11  }
0x1c3: {  	s5 =	simm.s32 $0xA0;
	s1 =	sand.u32 $0x50, s15;
	s8 =	sand.u32 $0xFF80, s14;
	v13 =	vsel vm6, $0x1, v0;
	v11 =	vsel vm7, $0x1, v0;
	(xrf0) =	vadd.scan.msk.s32 $0xffff, v14  }
0x1c4: {  	s12 =	sadd.s32 $0x10, s21;
	v19 =	vor.u32 s10, v1;
	s5 =	sand.u32 $0x60, s5;
	s1 =	sadd.s32 s1, s8;
	vm7 =	veq.s32 v5, v6;
	v14, _, _ =	vpop (xrf0);
	(xrf0) =	vadd.scan.msk.s32 $0xffff, v11  }
0x1c5: {  	p0 =	por $0x0, $0x0;
	v22 =	vor.u32 s12, v1;
	s5 =	sadd.s32 s5, s8;
	v11 =	vsel vm7, $0x1, v0;
	(v2sf) =	vpush v14, $0xF;
	(xrf0) =	vadd.scan.msk.s32 $0xffff, v13;
	v14 =	vld [tilespmem:s1+$0x0]  }
0x1c6: {  	s26 =	simm.s32 $0x0;
	s4 =	sand.u32 $0xFFC0, s14;
	vm9 =	veq.s32 @!p0 v5, v15;
	vm1 =	vmmov vm1;
	vm2 =	vmmov vm2;
	s0 =	spop (v2sf);
	v13, _, _ =	vpop (xrf0);
	(xrf0) =	vadd.scan.msk.s32 $0xffff, v11;
	v11 =	vld [tilespmem:s5+$0x0]  }
0x1c7: {  	s13 =	sadd.s32 $0x20, s21;
	vm10 =	vmmov vm0;
	vm3 =	vmmov vm3;
	[tilespmem:s26+$0xD000] =	vst.msk vm2, v15;
	s6 =	spop (v2sf);
	(v2sf) =	vpush v13, $0xF;
	v13 =	vld [tilespmem:s4+$0x0];
	v16, _, _ =	vpop (xrf0)  }
0x1c8: {  	s9 =	sadd.s32 $0x40, s21;
	vm10 =	vmmov vm10;
	[tilespmem:s26+$0xD800] =	vst.msk vm2, v19;
	vm0 =	vmmov vm5;
	vm5 =	vmmov vm3;
	s1 =	sadd.s32 $0x0, s6;
	v18, _, _ =	vpop (xrf0);
	s16 =	spop (v2sf)  }
0x1c9: {  	[tilespmem:s26+$0xD400] =	vst.msk @!p0 vm9, v15;
	vm2 =	vmmov vm4;
	vm8 =	vmmov vm8;
	vm7 =	vmmov vm1;
	p1 =	slt.s32 s1, $0x400;
	v20, _, _ =	vpop (xrf0);
	s17 =	sadd.s32 $0x0, s16;
	s25 =	spop (v2sf)  }
0x1ca: {  	[tilespmem:s26+$0xDC00] =	vst.msk @!p0 vm9, v19;
	vm1 =	vmmov vm6;
	p2 =	sgt.s32 s1, $0x3F0;
	(v2sf) =	vpush v20, $0xF;
	v20, _, _ =	vpop (xrf0);
	vm4 =	vlt.s32 v5, v14;
	s5 =	sadd.s32 s17, s25;
	s25 =	simm.s32 $0xB0  }
0x1cb: {  	s1 =	simm.s32 @!p1 $0x400;
	vm9 =	veq.s32 v5, v14;
	[tilespmem:s17+$0xD000] =	vst.msk vm10, v17;
	(v2sf) =	vpush v16, $0xF;
	v21, _, _ =	vpop (xrf0);
	s10 =	spop (v2sf);
	v16 =	vor.u32 s9, v1;
	s7 =	sand.u32 $0x70, s25  }
0x1cc: {  	vm3 =	vlt.s32 v5, v11;
	vm6 =	vlt.s32 v5, v13;
	[tilespmem:s5+$0xD000] =	vst.msk vm7, v9;
	(v2sf) =	vpush v18, $0xF;
	v23, _, _ =	vpop (xrf0);
	s14 =	sadd.s32 s1, s10;
	s16 =	sadd.s32 s5, s0;
	s12 =	sadd.s32 s7, s8  }
0x1cd: {  	[tilespmem:s17+$0xD800] =	vst.msk vm10, v22;
	v18 =	vor.u32 s13, v1;
	s13 =	spop (v2sf);
	(v2sf) =	vpush v23, $0xF;
	v23 =	vsel vm3, $0x1, v0;
	p0 =	slt.s32 s14, $0x400;
	v15 =	vld [tilespmem:s12+$0x0];
	s12 =	smov.u32 s14  }
0x1ce: {  	s30 =	sadd.s32 $0x60, s21;
	vm11 =	veq.s32 v5, v13;
	v24 =	vsel vm4, $0x1, v0;
	[tilespmem:s16+$0xD000] =	vst.msk vm5, v10;
	s15 =	spop (v2sf);
	(xrf0) =	vadd.scan.msk.s32 $0xffff, v23;
	s12 =	simm.s32 @!p0 $0x400  }
0x1cf: {  	s29 =	sadd.s32 $0x80, s21;
	vm10 =	veq.s32 v5, v11;
	v19 =	vsel vm11, $0x1, v0;
	[tilespmem:s5+$0xD800] =	vst.msk vm7, v18;
	v23 =	vsel vm9, $0x1, v0;
	s9 =	sadd.s32 s16, s15;
	s13 =	sadd.s32 s12, s13  }
0x1d0: {  	s28 =	sadd.s32 $0xA0, s21;
	s31 =	simm.s32 $0x8;
	(xrf0) =	vadd.scan.msk.s32 $0xffff, v19;
	v19 =	vsel vm10, $0x1, v0;
	vm10 =	veq.s32 @!p2 v5, v17;
	[tilespmem:s9+$0xD000] =	vst.msk vm8, v12;
	p1 =	slt.s32 s13, $0x400  }
0x1d1: {  	(v2sf) =	vpush v21, $0xF;
	v21 =	vsel vm6, $0x1, v0;
	s17 =	spop (v2sf);
	(xrf0) =	vadd.scan.msk.s32 $0xffff, v24;
	[tilespmem:s1+$0xD400] =	vst.msk @!p2 vm10, v17;
	p0 =	sgt.s32 s13, $0x3F0;
	s13 =	simm.s32 @!p1 $0x400  }
0x1d2: {  	s2 =	simm.s32 $0xF0;
	s26 =	sadd.s32 $0x90, s21;
	(v2sf) =	vpush v20, $0xF;
	[tilespmem:s9+$0xD800] =	vst.msk vm8, v16;
	(xrf0) =	vadd.scan.msk.s32 $0xffff, v23;
	vm9 =	veq.s32 v5, v15;
	s0 =	sadd.s32 s13, s17  }
0x1d3: {  	s8 =	sadd.s32 $0x50, s21;
	[tilespmem:s1+$0xDC00] =	vst.msk @!p2 vm10, v22;
	p1 =	sgt.s32 s14, $0x3F0;
	(xrf0) =	vadd.scan.msk.s32 $0xffff, v21;
	vm7 =	vlt.s32 v5, v15;
	v23 =	vsel vm9, $0x1, v0;
	p3 =	slt.s32 s0, $0x400  }
0x1d4: {  	s5 =	sadd.s32 $0x30, s21;
	vm8 =	veq.s32 @!p0 v5, v10;
	vm10 =	veq.s32 @!p1 v5, v9;
	s17 =	spop (v2sf);
	v17 =	vsel vm7, $0x1, v0;
	v20, _, _ =	vpop (xrf0);
	(xrf0) =	vadd.scan.msk.s32 $0xffff, v23;
	s0 =	simm.s32 @!p3 $0x400  }
.LBB2_29:
0x1d5: {  	s3 =	sadd.s32 $0xFFFFFFD0, s2;
	s4 =	sadd.s32 $0xFFFFFFF0, s2  }
0x1d6: {  	(v2sf) =	vpush v20, $0xF;
	(xrf0) =	vadd.scan.msk.s32 $0xffff, v17;
	s6 =	spop (v2sf);
	s1 =	smov.u32 s24;
	s24 =	smov.u32 s25  }
0x1d7: {  	[tilespmem:s12+$0xD400] =	vst.msk @!p1 vm10, v9;
	v20 =	vor.u32 s5, v1;
	v9 =	vmovc v6;
	v6 =	vmovc v11;
	v17 =	vmov v14;
	s25 =	smov.u32 s2;
	p2 =	sgt.s32 s0, $0x3F0;
	vm9 =	vmmov vm0;
	s14 =	sand.u32 $0x70, s2  }
0x1d8: {  	vm0 =	vmmov vm3;
	vm3 =	vmmov vm2;
	s7 =	sand.u32 $0xFF80, s3;
	s5 =	sand.u32 $0x60, s4;
	v11, _, _ =	vpop (xrf0);
	(xrf0) =	vadd.scan.msk.s32 $0xffff, v19;
	[tilespmem:s16+$0xD800] =	vst.msk vm5, v20;
	s16 =	sadd.s32 $0xFFFFFFE0, s2  }
0x1d9: {  	vm11 =	veq.s32 @!p2 v5, v12;
	s15 =	sand.u32 $0xFFC0, s3;
	s5 =	sadd.s32 s5, s7;
	(v2sf) =	vpush v11, $0xF;
	v19, _, _ =	vpop (xrf0);
	[tilespmem:s13+$0xD400] =	vst.msk @!p0 vm8, v10;
	v10 =	vmov v7;
	s10 =	sand.u32 $0x50, s16  }
0x1da: {  	v24 =	vor.u32 s29, v1;
	s29 =	sadd.s32 s21, s3;
	v7 =	vmov v15;
	v11 =	vld [tilespmem:s5+$0x0];
	v21, _, _ =	vpop (xrf0);
	s5 =	spop (v2sf);
	[tilespmem:s12+$0xDC00] =	vst.msk @!p1 vm10, v18;
	vm10 =	vmmov vm6;
	s10 =	sadd.s32 s10, s7  }
0x1db: {  	vm2 =	vmmov vm4;
	vm5 =	vmmov vm1;
	vm1 =	vmmov vm7;
	s7 =	sadd.s32 s14, s7;
	v22 =	vld [tilespmem:s15+$0x0];
	v15, _, _ =	vpop (xrf0);
	s9 =	sadd.s32 s9, s5;
	s5 =	spop (v2sf);
	[tilespmem:s13+$0xDC00] =	vst.msk @!p0 vm8, v20  }
0x1dc: {  	v14 =	vld [tilespmem:s10+$0x0];
	(v2sf) =	vpush v15, $0xF;
	v20, _, _ =	vpop (xrf0);
	s10 =	sadd.s32 s0, s6;
	[tilespmem:s9+$0xD000] =	vst.msk vm3, v8;
	s5 =	sadd.s32 s9, s5;
	s12 =	spop (v2sf)  }
0x1dd: {  	v23 =	vor.u32 s8, v1;
	(v2sf) =	vpush v19, $0xF;
	v19, _, _ =	vpop (xrf0);
	p0 =	slt.s32 s10, $0x400;
	[tilespmem:s5+$0xD000] =	vst.msk vm9, v9;
	s8 =	spop (v2sf);
	s3 =	smov.u32 s10  }
0x1de: {  	s4 =	sadd.s32 s21, s4;
	v18 =	vor.u32 s30, v1;
	s6 =	sadd.s32 s21, s16;
	(v2sf) =	vpush v21, $0xF;
	v15, _, _ =	vpop (xrf0);
	s3 =	simm.s32 @!p0 $0x400;
	[tilespmem:s9+$0xD800] =	vst.msk vm3, v23  }
0x1df: {  	p3 =	sgt.s32 s10, $0x3F0;
	s16 =	sadd.s32 s5, s17;
	vm3 =	vlt.s32 v5, v11;
	vm7 =	veq.s32 v5, v11;
	(v2sf) =	vpush v15, $0xF;
	[tilespmem:s0+$0xD400] =	vst.msk @!p2 vm11, v12;
	s10 =	sadd.s32 s3, s12;
	v12 =	vmovc v13  }
0x1e0: {  	vm6 =	vlt.s32 v5, v22;
	vm8 =	veq.s32 v5, v22;
	v21 =	vsel vm3, $0x1, v0;
	v15 =	vld [tilespmem:s7+$0x0];
	[tilespmem:s0+$0xDC00] =	vst.msk @!p2 vm11, v16;
	p0 =	slt.s32 s10, $0x400;
	s0 =	spop (v2sf);
	v13 =	vmovc v22;
	s12 =	smov.u32 s10  }
0x1e1: {  	s31 =	sadd.s32 $0x4, s31;
	v16 =	vmovc v24;
	vm4 =	vlt.s32 v5, v14;
	vm11 =	veq.s32 v5, v14;
	(xrf0) =	vadd.scan.msk.s32 $0xffff, v21;
	s12 =	simm.s32 @!p0 $0x400;
	[tilespmem:s16+$0xD000] =	vst.msk vm5, v10;
	s9 =	sadd.s32 s16, s0  }
0x1e2: {  	p2 =	slt.u32 s31, $0xBFC;
	v21 =	vsel vm8, $0x1, v0;
	v22 =	vsel vm11, $0x1, v0;
	[tilespmem:s9+$0xD000] =	vst.msk vm10, v12;
	(v2sf) =	vpush v19, $0xF;
	s13 =	sadd.s32 s12, s8;
	s0 =	spop (v2sf)  }
.Ltmp13:
0x1e3: {  	v24 =	vsel vm6, $0x1, v0;
	v19 =	vsel vm4, $0x1, v0;
	(xrf0) =	vadd.scan.msk.s32 $0xffff, v21;
	[tilespmem:s9+$0xD800] =	vst.msk vm10, v16;
	p4 =	slt.s32 s13, $0x400;
	p0 =	sgt.s32 s13, $0x3F0;
	(pc) =	sbr.rel @p2 .LBB2_29-.Ltmp13, $4  }
0x1e4: {  	p1 =	sgt.s32 s10, $0x3F0;
	s8 =	smov.u32 s26;
	(xrf0) =	vadd.scan.msk.s32 $0xffff, v19;
	(v2sf) =	vpush v20, $0xF;
	[tilespmem:s5+$0xD800] =	vst.msk vm9, v18;
	s13 =	simm.s32 @!p4 $0x400;
	vm8 =	veq.s32 @!p0 v5, v10  }
0x1e5: {  	s30 =	smov.u32 s28;
	s26 =	smov.u32 s6;
	vm10 =	veq.s32 @!p3 v5, v8;
	v19 =	vsel vm7, $0x1, v0;
	vm9 =	veq.s32 v5, v15;
	(xrf0) =	vadd.scan.msk.s32 $0xffff, v22;
	s0 =	sadd.s32 s13, s0  }
0x1e6: {  	s5 =	sadd.s32 s1, s21;
	vm7 =	vlt.s32 v5, v15;
	v21 =	vsel vm9, $0x1, v0;
	(xrf0) =	vadd.scan.msk.s32 $0xffff, v24;
	s17 =	spop (v2sf);
	[tilespmem:s3+$0xD400] =	vst.msk @!p3 vm10, v8;
	p4 =	slt.s32 s0, $0x400;
	v8 =	vmovc v17  }
0x1e7: {  	s2 =	sadd.s32 $0x40, s2;
	s28 =	smov.u32 s4;
	v17 =	vsel vm7, $0x1, v0;
	v20, _, _ =	vpop (xrf0);
	(xrf0) =	vadd.scan.msk.s32 $0xffff, v21;
	[tilespmem:s3+$0xDC00] =	vst.msk @!p3 vm10, v23;
	vm10 =	veq.s32 @!p1 v5, v9;
	s0 =	simm.s32 @!p4 $0x400  }
0x1e8: {  	[tilespmem:s12+$0xD400] =	vst.msk @!p1 vm10, v9;
	v9 =	vor.u32 s5, v1  }
0x1e9: {  	[tilespmem:s16+$0xD800] =	vst.msk vm5, v9  }
0x1ea: {  	s1 =	spop (v2sf);
	v21, _, _ =	vpop (xrf0);
	[tilespmem:s12+$0xDC00] =	vst.msk @!p1 vm10, v18  }
0x1eb: {  	v22, _, _ =	vpop (xrf0);
	[tilespmem:s13+$0xD400] =	vst.msk @!p0 vm8, v10;
	s2 =	spop (v2sf)  }
0x1ec: {  	(v2sf) =	vpush v20, $0xF;
	vm14 =	vmmov vm2;
	v59, _, _ =	vpop (xrf0);
	[tilespmem:s13+$0xDC00] =	vst.msk @!p0 vm8, v9;
	p0 =	sgt.s32 s0, $0x3F0;
	s2 =	sadd.s32 s9, s2  }
0x1ed: {  	(v2sf) =	vpush v21, $0xF;
	v60, _, _ =	vpop (xrf0);
	s3 =	spop (v2sf);
	vm8 =	veq.s32 @!p0 v5, v12;
	[tilespmem:s2+$0xD000] =	vst.msk vm14, v8  }
0x1ee: {  	vm15 =	vmmov vm0;
	(xrf0) =	vadd.scan.msk.s32 $0xffff, v17;
	(v2sf) =	vpush v60, $0xF;
	s3 =	sadd.s32 s2, s3;
	[tilespmem:s0+$0xD400] =	vst.msk @!p0 vm8, v12  }
0x1ef: {  	s1 =	sadd.s32 s0, s1;
	(xrf0) =	vadd.scan.msk.s32 $0xffff, v19;
	(v2sf) =	vpush v22, $0xF;
	[tilespmem:s3+$0xD000] =	vst.msk vm15, v6  }
0x1f0: {  	p1 =	sgt.s32 s1, $0x3F0;
	v9 =	vor.u32 s8, v1;
	[tilespmem:s0+$0xDC00] =	vst.msk @!p0 vm8, v16;
	p0 =	slt.s32 s1, $0x400  }
0x1f1: {  	vm11 =	vmmov vm1;
	s4 =	spop (v2sf);
	[tilespmem:s2+$0xD800] =	vst.msk vm14, v9;
	s8 =	sadd.s32 s3, s17;
	s1 =	simm.s32 @!p0 $0x400  }
0x1f2: {  	v18 =	vor.u32 s30, v1;
	[tilespmem:s8+$0xD000] =	vst.msk vm11, v7;
	s4 =	sadd.s32 s1, s4  }
0x1f3: {  	vm1 =	veq.s32 @!p1 v5, v8;
	v61, _, _ =	vpop (xrf0);
	s7 =	spop (v2sf);
	(v2sf) =	vpush v59, $0xF;
	[tilespmem:s3+$0xD800] =	vst.msk vm15, v18;
	p0 =	slt.s32 s4, $0x400;
	s6 =	smov.u32 s4  }
0x1f4: {  	v62, _, _ =	vpop (xrf0);
	[tilespmem:s1+$0xD400] =	vst.msk @!p1 vm1, v8;
	s9 =	spop (v2sf);
	s6 =	simm.s32 @!p0 $0x400  }
0x1f5: {  	vm12 =	vmmov vm6;
	v63, _, _ =	vpop (xrf0);
	[tilespmem:s1+$0xDC00] =	vst.msk @!p1 vm1, v9;
	s5 =	sadd.s32 s8, s9;
	s2 =	sadd.s32 s6, s7  }
0x1f6: {  	v16 =	vor.u32 s29, v1;
	(v2sf) =	vpush v63, $0xF;
	p0 =	sgt.s32 s4, $0x3F0;
	[tilespmem:s5+$0xD000] =	vst.msk vm12, v13;
	p2 =	slt.s32 s2, $0x400  }
0x1f7: {  	vm1 =	veq.s32 @!p0 v5, v6;
	s12 =	spop (v2sf);
	[tilespmem:s5+$0xD800] =	vst.msk vm12, v16;
	p1 =	sgt.s32 s2, $0x3F0;
	s2 =	simm.s32 @!p2 $0x400  }
0x1f8: {  	s10 =	sadd.s32 s24, s21;
	[tilespmem:s6+$0xD400] =	vst.msk @!p0 vm1, v6;
	s1 =	sadd.s32 s2, s12  }
0x1f9: {  	v6 =	vor.u32 s10, v1;
	[tilespmem:s6+$0xDC00] =	vst.msk @!p0 vm1, v18;
	p0 =	slt.s32 s1, $0x400  }
0x1fa: {  	vm2 =	veq.s32 @!p1 v5, v7;
	[tilespmem:s8+$0xD800] =	vst.msk vm11, v6;
	s1 =	simm.s32 @!p0 $0x400  }
0x1fb: {  	(v2sf) =	vpush v62, $0xF;
	[tilespmem:s2+$0xD400] =	vst.msk @!p1 vm2, v7;
	s13 =	spop (v2sf);
	p0 =	sgt.s32 s1, $0x3F0  }
0x1fc: {  	[tilespmem:s2+$0xDC00] =	vst.msk @!p1 vm2, v6;
	s14 =	spop (v2sf);
	(v2sf) =	vpush v61, $0xF;
	vm2 =	veq.s32 @!p0 v5, v13  }
0x1fd: {  	vm13 =	vmmov vm4;
	[tilespmem:s1+$0xD400] =	vst.msk @!p0 vm2, v13;
	s15 =	spop (v2sf)  }
0x1fe: {  	vm0 =	vmmov vm13;
	vm14 =	vmmov vm3;
	[tilespmem:s1+$0xDC00] =	vst.msk @!p0 vm2, v16;
	s4 =	sadd.s32 s5, s15;
	s16 =	spop (v2sf)  }
0x1ff: {  	vm1 =	vmmov vm14;
	[tilespmem:s4+$0xD000] =	vst.msk vm0, v14;
	s17 =	sadd.s32 s4, s16  }
0x200: {  	vm15 =	vmmov vm7;
	v6 =	vor.u32 s26, v1;
	s0 =	sadd.s32 s1, s14;
	[tilespmem:s17+$0xD000] =	vst.msk vm1, v11  }
0x201: {  	p2 =	slt.s32 s0, $0x400;
	[tilespmem:s4+$0xD800] =	vst.msk vm0, v6;
	vm0 =	vmmov vm15;
	s26 =	sadd.s32 s17, s13  }
0x202: {  	v7 =	vor.u32 s28, v1;
	p1 =	sgt.s32 s0, $0x3F0;
	s0 =	simm.s32 @!p2 $0x400;
	s24 =	spop (v2sf);
	[tilespmem:s26+$0xD000] =	vst.msk vm0, v15  }
0x203: {  	s3 =	sadd.s32 s0, s24;
	[tilespmem:s17+$0xD800] =	vst.msk vm1, v7;
	vm1 =	veq.s32 @!p1 v5, v14  }
0x204: {  	p2 =	slt.s32 s3, $0x400;
	p0 =	sgt.s32 s3, $0x3F0;
	[tilespmem:s0+$0xD400] =	vst.msk @!p1 vm1, v14  }
0x205: {  	s29 =	sadd.s32 s25, s21;
	s28 =	spop (v2sf);
	s3 =	simm.s32 @!p2 $0x400;
	[tilespmem:s0+$0xDC00] =	vst.msk @!p1 vm1, v6;
	vm1 =	veq.s32 @!p0 v5, v11  }
0x206: {  	s2 =	sadd.s32 s3, s28;
	v6 =	vor.u32 s29, v1;
	[tilespmem:s3+$0xD400] =	vst.msk @!p0 vm1, v11  }
0x207: {  	p1 =	slt.s32 s2, $0x400;
	p2 =	sgt.s32 s2, $0x3F0;
	[tilespmem:s26+$0xD800] =	vst.msk vm0, v6  }
0x208: {  	s0 =	sadd.s32 s23, s22;
	s2 =	simm.s32 @!p1 $0x400;
	vm2 =	veq.s32 @!p2 v5, v15;
	[tilespmem:s3+$0xDC00] =	vst.msk @!p0 vm1, v7  }
0x209: {  	s0 =	ssub.s32 $0x3E8, s0;
	[tilespmem:s2+$0xD400] =	vst.msk @!p2 vm2, v15  }
0x20a: {  	s1 =	simm.s32 $0x0;
	s30 =	spop (v2sf);
	v5 =	vmov s0;
	s0 =	simm.s32 $0xD400;
	[tilespmem:s2+$0xDC00] =	vst.msk @!p2 vm2, v6  }
0x20b: {  	s3 =	simm.s32 $0x2;
	s2 =	simm.s32 $0x10;
	v6 =	vld [tilespmem:s0+$0x0];
	s31 =	spop (v2sf)  }
.LBB2_31:
0x20c: {  	p0 =	sne.s32 s2, $0x3F0;
	_ =	sdelay $0x1  }
.Ltmp14:
0x20d: {  	v7 =	vor.u32 s1, v1;
	s1 =	smov.u32 s2;
	(pc) =	sbr.rel @p0 .LBB2_31-.Ltmp14, $4  }
0x20e: {  	vm0 =	vlt.s32 v7, v5  }
0x20f: {  	v6 =	vnsel vm0, $0xBF800000, v6  }
0x210: {  	[tilespmem:s0+$0x0] =	vst v6;
	s0 =	sadd.s32 $0x10, s0  }
0x211: {  	s2 =	sadd.s32 $0x10, s2;
	v6 =	vld [tilespmem:s0+$0x0]  }
0x212: {  	_ =	sdelay $0x1  }
0x213: {  	v7 =	vor.u32 s1, v1  }
0x214: {  	vm0 =	vlt.s32 v7, v5  }
0x215: {  	s22 =	rddreg [dreg:$0x3];
	s23 =	simm.s32 $0x800;
	v5 =	vnsel vm0, $0xBF800000, v6  }
0x216: {  	s2 =	simm.s32 $0xD800;
	s4 =	simm.s32 $0xE000;
	s24 =	simm.s32 $0x1;
	[tilespmem:s0+$0x0] =	vst v5  }
0x217: {  	[tilespmem:s4], [sflag:$0x1] =	stream.indirect.gather [hbm4b:s22+s23], $0x8, s2, s23, $0xb8;
	[tilespmem:$0x12000] =	vst v63  }
0x218: {  	s25 =	sshll.u32 s20, $0x8;
	_ =	swait.ge [sflag:s24], $0x4000  }
0x219: {  	s28 =	simm.s32 $0x0;
	[sflag:s24] =	ssyncset.done $0x0;
	s26 =	rddreg [dreg:$0x4]  }
0x21a: {  	s29 =	simm.s32 $0xD000;
	[sflag:s24] =	ssyncadd.s32 $0xFFFFC000;
	s0 =	sadd.s32 s26, s25  }
0x21b: {  	[hbm4b:s0+s28] =	stream.linear.scatter [tilespmem:s29], [sflag:$0x2], $0x800, $0x38;
	[tilespmem:$0x12000] =	vst v63  }
0x21c: {  	s30 =	sshll.u32 s20, $0xB;
	s19 =	sadd.s32 $0x1, s19;
	_ =	swait.ge [sflag:s3], $0x800  }
0x21d: {  	p0 =	sne.s32 s19, $0xA;
	[sflag:s3] =	ssyncset.done $0x0;
	s31 =	rddreg [dreg:$0x5]  }
.Ltmp15:
0x21e: {  	[sflag:s3] =	ssyncadd.s32 $0xFFFFF800;
	s0 =	sadd.s32 s31, s30;
	(pc) =	sbr.rel @p0 .LBB2_2-.Ltmp15, $4  }
0x21f: {  	[hbm4b:s0+s28] =	stream.linear.scatter [tilespmem:s4], [sflag:$0x2], $0x4000, $0x38;
	[tilespmem:$0x12000] =	vst v63  }
0x220: {  	_ =	swait.ge [sflag:s3], $0x4000  }
0x221: {  	[sflag:s3] =	ssyncset.done $0x0  }
0x222: {  	s18 =	sadd.s32 $0x1, s18;
	[sflag:s3] =	ssyncadd.s32 $0xFFFFC000  }
0x223: {  	s1 =	rddreg [dreg:$0x9]  }
0x224: {  	s0 =	rddreg [dreg:$0x7];
	s1 =	sadd.s32 $0x1, s1  }
0x225: {  	p0 =	sne.s32 s1, s0  }
.Ltmp16:
0x226: {  	_ = 	snop;
	(pc) =	sbr.rel @p0 .LBB2_1-.Ltmp16, $1  }
0x227: {  	_ =	sdelay $0x3  }
0x228: {  	_ =	sfence.sel $0x180000  }
0x229: {  	[bflag:$0x0] =	sbarrier.arrive $0xFFFF  }
0x22a: {  	_ =	strace $0x9000004A  }
0x22b: {  	s0 =	stileid.u32;
	[bflag:$0x2] =	sbarrier.arrive $0xFFFF  }
0x22c: {  	p0 =	sne.s32 s0, $0x0;
	s0 =	rddreg [dreg:$0x1]  }
0x22d: {  	s0 =	sadd.s32 @!p0 $0x100000, s0  }
0x22e: {  	[sflag:s0] =	ssyncadd.tile.s32 @!p0 $0x1;
	_ =	shalt  }
.Lfunc_end2:
_tile_overlayer_lowered:
.L_overlay_start_2:
0x22f: {  	(tag) =	ssettag $0x2  }
0x230: {  	s0 =	rddreg [dreg:$0x0];
	s2 =	stileid.u32  }
0x231: {  	s1 =	rddreg [dreg:$0x1];
	p0 =	sne.s32 s2, $0x0  }
0x232: {  	s3 =	rddreg [dreg:$0x2];
	[bflag:$0x3] =	sbarrier.arrive $0xFFFF;
	s2 =	simm.s32 @!p0 $0x1C02  }
0x233: {  	[timem:s3], [sflag:s2] =	dma.local @!p0 [hbm:s0], s1  }
0x234: {  	s0 =	simm.s32 @!p0 $0x2  }
0x235: {  	_ =	swait.ge @!p0 [sflag:s0], s1  }
0x236: {  	s1 =	ssub.s32 @!p0 $0x0, s1;
	[sflag:s0] =	ssyncset.done @!p0 $0x0  }
0x237: {  	[sflag:s0] =	ssyncadd.s32 @!p0 s1  }
0x238: {  	[bflag:$0x3] =	sbarrier.arrive $0xFFFF  }
0x239: {  	_ =	shalt  }

// kernel: sparse-core-data-format-call.cloned.1.call-start
scs
called_computation_lowered:
.L_overlay_start_0:
0x0: {  	s1 =	sld [smem:$0x3FD9]  }
0x1: {  	s2 =	sld [smem:$0x3FFE];
	_ =	sdelay $0x1  }
0x2: {  	s3 =	srdreg.scid  }
0x3: {  	s0 =	sand.u32 $0x1, s3  }
0x4: {  	s17 =	sshll.u32 s0, $0xA;
	s1 =	sadd.s32 s2, s1  }
0x5: {  	s1 =	sadd.s32 s1, s17  }
0x6: {  	[smem:$0x3FC7] =	sst s1  }
0x7: {  	_ = 	snop  }
0x8: {  	(tm) =	ssettm $0x1  }
0x9: {  	s18 =	sld [smem:$0x3FFB];
	_ =	sdelay $0x3  }
0xa: {  	_ =	strace s18  }
0xb: {  	s1 =	sld [smem:$0x3FFC];
	_ =	sdelay $0x3  }
0xc: {  	_ =	strace s1  }
0xd: {  	s1 =	sld [smem:$0x3FFD];
	_ =	sdelay $0x3  }
0xe: {  	_ =	strace s1  }
0xf: {  	_ =	strace $0x8FFFFFFF  }
0x10: {  	s19 =	sld [smem:$0x3FDB];
	_ =	sdelay $0x1  }
0x11: {  	s20 =	simm.s32 $_scs_section_size  }
0x12: {  	s4 =	simm.s32 $_size__tile_overlayer_lowered;
	s5 =	simm.s32 $_tile_overlayer_lowered  }
0x13: {  	s23 =	simm.s32 $0x1BFF;
	s22 =	sshll.u32 s5, $0x1;
	s1 =	sadd.s32 s20, s19  }
0x14: {  	s6 =	simm.s32 $0x0;
	s21 =	sshll.u32 s4, $0x1;
	s4 =	sadd.s32 s22, s1  }
0x15: {  	[timem:s6], [sflag:s23] =	dma.local [hbm:s4], s21  }
0x16: {  	_ =	swait.ge [sflag:s23], s21  }
0x17: {  	s2 =	ssub.s32 $0x0, s21;
	[sflag:s23] =	ssyncset.done $0x0  }
0x18: {  	[sflag:s23] =	ssyncadd.s32 s2;
	_ =	sdelay $0x1  }
0x19: {  	s24 =	simm.s32 $0x1B8B  }
0x1a: {  	_ =	swait.ge [sflag:s24], $0x1  }
0x1b: {  	[sflag:s24] =	ssyncset.done $0x0  }
0x1c: {  	s26 =	simm.s32 $0x1B8E;
	s25 =	sld [smem:$0x3FFE];
	[sflag:s24] =	ssyncadd.s32 $0xFFFFFFFF  }
0x1d: {  	s27 =	simm.s32 $execute0_lowered;
	[smem:$0x3FD2] =	sst s26  }
0x1e: {  	s4 =	sshll.u32 s27, $0x1;
	_ =	strace $0x80000046;
	[dreg:$0x1] =	wrdreg $0xFFFFFFFF  }
0x1f: {  	s28 =	simm.s32 $_size_execute0_lowered;
	s1 =	sadd.s32 s1, s4;
	[dreg:$0x0] =	wrdreg $0x0  }
0x20: {  	s4 =	sshll.u32 s28, $0x1;
	[dreg:$0x2] =	wrdreg s1  }
0x21: {  	[dreg:$0x3] =	wrdreg s4  }
0x22: {  	[dreg:$0x4] =	wrdreg $0xC0  }
0x23: {  	_ =	task [dreg:s6], $0x5FFFF  }
0x24: {  	[dreg:$0x1] =	wrdreg $0xFFFFFFFF  }
0x25: {  	[dreg:$0x0] =	wrdreg $0x60  }
0x26: {  	[dreg:$0x2] =	wrdreg s25  }
0x27: {  	[dreg:$0x3] =	wrdreg $0x9  }
0x28: {  	_ =	task.clear_ibuf [dreg:s6], $0x4FFFF;
	_ =	strace $0x90000046  }
0x29: {  	s29 =	simm.s32 $0x9;
	_ =	strace $0x80000048  }
0x2a: {  	_ =	swait.ge [sflag:s29], $0x1  }
0x2b: {  	[sflag:s29] =	ssyncadd.s32 $0xFFFFFFFF  }
0x2c: {  	_ =	strace $0x90000048  }
0x2d: {  	_ =	sfence  }
0x2e: {  	s30 =	sld [smem:$0x0];
	_ =	sdelay $0x2  }
0x2f: {  	s31 =	sshll.u32 s3, $0xD;
	s3 =	sshrl.u32 s3, $0x2  }
0x30: {  	s2 =	sand.u32 $0x4000, s31;
	s1 =	sadd.s32 s3, s30  }
0x31: {  	s0 =	sor.u32 s2, s0;
	s1 =	sshll.u32 s1, $0x11  }
0x32: {  	s0 =	sor.u32 s1, s0  }
0x33: {  	s0 =	sadd.s32 $0x8F2B, s0  }
0x34: {  	[sflag:s0] =	ssyncadd.remote.s32 $0x1  }
0x35: {  	_ =	sfence.sel $0xFFFF  }
0x36: {  	[dreg:$0x0] =	wrdreg $0xFFFFFFFF;
	(pc) =	sbr.abs _section_cstart, $3  }
0x37: {  	[dreg:$0x1] =	wrdreg $0xFFFFFFFF  }
0x38: {  	_ =	task.clear_ibuf [dreg:s6], $0x2FFFF;
	_ =	strace $0x9FFFFFFF  }
0x39: {  	(tm) =	ssettm $0x7FFFFFFF  }
tec
execute0_lowered:
.L_overlay_start_1:
0x0: {  	(tag) =	ssettag $0x1  }
0x1: {  	s0 =	srdreg.scid  }
0x2: {  	s5 =	rddreg [dreg:$0x0];
	s1 =	sshll.u32 s0, $0x4  }
0x3: {  	s7 =	simm.s32 $0x2;
	s0 =	stileid.u32;
	s1 =	sand.u32 $0x10, s1  }
0x4: {  	s12 =	simm.s32 $0x0;
	s8 =	simm.s32 $0x800;
	s3 =	sor.u32 s0, s1  }
0x5: {  	s9 =	simm.s32 $0xC000;
	s13 =	simm.s32 $0x0;
	s2 =	sshll.u32 s3, $0x4  }
0x6: {  	s10 =	simm.s32 $0x0;
	s11 =	simm.s32 $0x0;
	s4 =	ssub.s32 $0x180, s2  }
0x7: {  	s1 =	rddreg [dreg:$0x1];
	_ =	strace $0x80000047;
	p0 =	sgt.s32 s4, $0x0  }
.Ltmp0:
0x8: {  	s6 =	sshll.u32 s3, $0xB;
	s4 =	simm.s32 @!p0 $0x0;
	(pc) =	sbr.rel .LBB1_1-.Ltmp0, $4  }
0x9: {  	s3 =	simm.s32 $0x1;
	s6 =	sadd.s32 s6, s5;
	s4 =	sand.u32 $0x1F0, s4  }
0xa: {  	[sflag:s3] =	ssyncpa.u1 $0x0;
	p0 =	seq.s32 s4, $0x0;
	s4 =	simm.s32 $0x0  }
0xb: {  	s5 =	sadd.s32 $0x1E0600, s5;
	[sflag:s7] =	ssyncpa.u1 $0x0;
	s4 =	simm.s32 @!p0 $0x28  }
0xc: {  	s6 =	sadd.s32 $0x600, s6;
	p0 =	por $0x0, $0x0;
	s7 =	sor.u32 $0x1, s4  }
.LBB1_7:
0xd: {  	s14 =	sadd.s32 $0x1, s10  }
0xe: {  	p2 =	sgt.s32 s14, $0x27  }
0xf: {  	s14 =	simm.s32 @p2 $0x0;
	p2 =	sne.s32 s11, s7  }
.Ltmp1:
0x10: {  	p1 =	slt.u32 s11, $0x2;
	(pc) =	sbr.rel @!p2 .LBB1_8-.Ltmp1, $4  }
0x11: {  	s12 =	simm.s32 @!p1 $0x2  }
0x12: {  	s15 =	sadd.s32 $0x1, s11;
	s13 =	smov.u32 s10;
	_ =	swait.ge @!p1 [sflag:s12], $0x4000  }
0x13: {  	p0 =	por !p0, !p0;
	s11 =	smov.u32 s15;
	[sflag:s12] =	ssyncset.done @!p1 $0x0  }
0x14: {  	s10 =	smov.u32 s14;
	[sflag:s12] =	ssyncadd.s32 @!p1 $0xFFFFC000;
	s12 =	smov.u32 s2  }
.LBB1_1:
0x15: {  	p1 =	sge.u32 s11, s4  }
0x16: {  	s14 =	sxor.u32 @!p1 $0xFFFFFFFF, s11;
	s15 =	smul.u32 @!p1 $0xC000, s10  }
0x17: {  	s31 =	sadd.s32 $0xFFFFFFFF, s11;
	s14 =	sshll.u32 @!p1 s14, $0xE  }
0x18: {  	s16 =	simm.s32 @!p1 $0x0;
	s14 =	sand.u32 @!p1 $0x4000, s14;
	s15 =	sadd.s32 @!p1 s15, s6  }
0x19: {  	[tilespmem:s14], [sflag:$0x1] =	stream.linear.gather @!p1 [hbm4b:s15+s16], $0x4000, $0x38;
	[tilespmem:$0x10000] =	vst v63  }
0x1a: {  	p1 =	sge.u32 s31, s4  }
.Ltmp2:
0x1b: {  	_ = 	snop;
	(pc) =	sbr.rel @p1 .LBB1_7-.Ltmp2, $1  }
0x1c: {  	_ =	sdelay $0x3  }
0x1d: {  	s14 =	simm.s32 $0x1;
	_ =	swait.ge [sflag:s3], $0x4000;
	s17 =	sshll.u32 s11, $0xE  }
0x1e: {  	s14 =	simm.s32 @!p0 $0x0;
	[sflag:s3] =	ssyncset.done $0x0;
	s31 =	sand.u32 $0x4000, s17  }
0x1f: {  	s17 =	simm.s32 $0x0;
	s14 =	sshll.u32 s14, $0xE;
	[sflag:s3] =	ssyncadd.s32 $0xFFFFC000  }
0x20: {  	s15 =	sor.u32 $0x8040, s14;
	s16 =	sor.u32 $0x40, s14;
	s14 =	sor.u32 $0x8000, s31  }
.LBB1_3:
0x21: {  	v0 =	vmov s16;
	_ =	sdelay $0x3  }
0x22: {  	s19 =	simm.s32 $0x0  }
0x23: {  	v6 =	vld.idx.msk [tilespmem:v0+s19+$0x30 ss:$0x1], $0xffff  }
0x24: {  	v7 =	vld.idx.msk [tilespmem:v0+s19+$0xFFFFFFC0 ss:$0x1], $0xffff  }
0x25: {  	v5 =	vld.idx.msk [tilespmem:v0+s19+$0xFFFFFFD0 ss:$0x1], $0xffff  }
0x26: {  	v4 =	vld.idx.msk [tilespmem:v0+s19+$0xFFFFFFE0 ss:$0x1], $0xffff  }
0x27: {  	v3 =	vld.idx.msk [tilespmem:v0+s19+$0xFFFFFFF0 ss:$0x1], $0xffff  }
0x28: {  	v1 =	vld.idx.msk [tilespmem:v0+s19+$0x0 ss:$0x1], $0xffff  }
0x29: {  	v2 =	vld.idx.msk [tilespmem:v0+s19+$0x10 ss:$0x1], $0xffff;
	[tilespmem:s15+$0x30] =	vst v6  }
0x2a: {  	s18 =	simm.s32 $0x80;
	s20 =	simm.s32 $0x400;
	[tilespmem:s15+$0xFFFFFFC0] =	vst v7;
	v6 =	vld.idx.msk [tilespmem:v0+s19+$0x20 ss:$0x1], $0xffff;
	s19 =	smov.u32 s15  }
.LBB1_4:
0x2b: {  	p1 =	sne.s32 s20, $0xE00;
	v7 =	vld.idx.msk [tilespmem:v0+s18+$0x30 ss:$0x1], $0xffff;
	[tilespmem:s19+$0xFFFFFFD0] =	vst v5  }
0x2c: {  	v8 =	vld.idx.msk [tilespmem:v0+s18+$0xFFFFFFC0 ss:$0x1], $0xffff;
	[tilespmem:s19+$0xFFFFFFE0] =	vst v4  }
0x2d: {  	v5 =	vld.idx.msk [tilespmem:v0+s18+$0xFFFFFFD0 ss:$0x1], $0xffff;
	[tilespmem:s19+$0xFFFFFFF0] =	vst v3  }
.Ltmp3:
0x2e: {  	v4 =	vld.idx.msk [tilespmem:v0+s18+$0xFFFFFFE0 ss:$0x1], $0xffff;
	[tilespmem:s19+$0x0] =	vst v1;
	(pc) =	sbr.rel @p1 .LBB1_4-.Ltmp3, $4  }
0x2f: {  	v3 =	vld.idx.msk [tilespmem:v0+s18+$0xFFFFFFF0 ss:$0x1], $0xffff;
	[tilespmem:s19+$0x10] =	vst v2  }
0x30: {  	v1 =	vld.idx.msk [tilespmem:v0+s18+$0x0 ss:$0x1], $0xffff;
	[tilespmem:s19+$0x20] =	vst v6;
	s19 =	sadd.s32 $0x800, s19  }
0x31: {  	v2 =	vld.idx.msk [tilespmem:v0+s18+$0x10 ss:$0x1], $0xffff;
	[tilespmem:s19+$0x30] =	vst v7  }
0x32: {  	[tilespmem:s19+$0xFFFFFFC0] =	vst v8;
	v6 =	vld.idx.msk [tilespmem:v0+s18+$0x20 ss:$0x1], $0xffff;
	s18 =	sshra.s32 s20, $0x2;
	s20 =	sadd.s32 $0x200, s20  }
0x33: {  	_ =	sdelay $0x2  }
0x34: {  	[tilespmem:s19+$0xFFFFFFD0] =	vst v5  }
0x35: {  	v56 =	vld.idx.msk [tilespmem:v0+s18+$0x30 ss:$0x1], $0xffff;
	[tilespmem:s19+$0xFFFFFFE0] =	vst v4  }
0x36: {  	v57 =	vld.idx.msk [tilespmem:v0+s18+$0xFFFFFFC0 ss:$0x1], $0xffff;
	[tilespmem:s19+$0xFFFFFFF0] =	vst v3  }
0x37: {  	v58 =	vld.idx.msk [tilespmem:v0+s18+$0xFFFFFFD0 ss:$0x1], $0xffff;
	[tilespmem:s19+$0x0] =	vst v1  }
0x38: {  	v59 =	vld.idx.msk [tilespmem:v0+s18+$0xFFFFFFE0 ss:$0x1], $0xffff;
	[tilespmem:s19+$0x10] =	vst v2  }
0x39: {  	v60 =	vld.idx.msk [tilespmem:v0+s18+$0xFFFFFFF0 ss:$0x1], $0xffff;
	s31 =	sadd.s32 $0x800, s19;
	[tilespmem:s19+$0x20] =	vst v6  }
0x3a: {  	v61 =	vld.idx.msk [tilespmem:v0+s18+$0x0 ss:$0x1], $0xffff;
	[tilespmem:s31+$0x30] =	vst v56  }
0x3b: {  	v62 =	vld.idx.msk [tilespmem:v0+s18+$0x10 ss:$0x1], $0xffff;
	s17 =	sadd.s32 $0x1, s17;
	[tilespmem:s31+$0xFFFFFFC0] =	vst v57  }
0x3c: {  	v63 =	vld.idx.msk [tilespmem:v0+s18+$0x20 ss:$0x1], $0xffff;
	p1 =	sne.s32 s17, $0x10;
	[tilespmem:s31+$0xFFFFFFD0] =	vst v58  }
.Ltmp4:
0x3d: {  	[tilespmem:s31+$0xFFFFFFE0] =	vst v59;
	(pc) =	sbr.rel @p1 .LBB1_3-.Ltmp4, $4  }
0x3e: {  	[tilespmem:s31+$0xFFFFFFF0] =	vst v60  }
0x3f: {  	[tilespmem:s31+$0x0] =	vst v61  }
0x40: {  	[tilespmem:s31+$0x10] =	vst v62  }
0x41: {  	s15 =	sadd.s32 $0x80, s15;
	s16 =	sadd.s32 $0x400, s16;
	[tilespmem:s31+$0x20] =	vst v63  }
0x42: {  	s15 =	smulhi.u32 $0xAAAAAAAB, s12;
	_ =	sdelay $0x1  }
0x43: {  	s13 =	smul.u32 $0xC000, s13;
	s15 =	sshrl.u32 s15, $0x8  }
0x44: {  	s15 =	smul.u32 $0x180, s15  }
.Ltmp5:
0x45: {  	_ = 	snop;
	(pc) =	sbr.rel .LBB1_7-.Ltmp5, $4  }
0x46: {  	s31 =	ssub.s32 s12, s15  }
0x47: {  	s13 =	sadd.s32 s5, s13;
	s12 =	sshll.u32 s31, $0x4  }
0x48: {  	s12 =	sadd.s32 s12, s13  }
0x49: {  	[hbm4b:s12+s8] =	stream.strided.scatter [tilespmem:s14], [sflag:$0x2], $0x4000, s9, s8, $0x38;
	[tilespmem:$0x10000] =	vst v63  }
.LBB1_8:
0x4a: {  	_ =	sfence.sel $0x180000  }
0x4b: {  	s2 =	simm.s32 $0x1;
	[bflag:$0x0] =	sbarrier.arrive $0xFFFF  }
0x4c: {  	s31 =	simm.s32 $0x2;
	[sflag:s2] =	ssyncpa.u1 $0x1  }
0x4d: {  	[sflag:s31] =	ssyncpa.u1 $0x1  }
0x4e: {  	p0 =	sne.s32 s0, $0x0;
	_ =	strace $0x90000047  }
0x4f: {  	s0 =	sadd.s32 @!p0 $0x100000, s1;
	[bflag:$0x2] =	sbarrier.arrive $0xFFFF  }
0x50: {  	[sflag:s0] =	ssyncadd.tile.s32 @!p0 $0x1;
	_ =	shalt  }
.Lfunc_end1:
_tile_overlayer_lowered:
.L_overlay_start_2:
0x51: {  	(tag) =	ssettag $0x2  }
0x52: {  	s0 =	rddreg [dreg:$0x0];
	s2 =	stileid.u32  }
0x53: {  	s1 =	rddreg [dreg:$0x1];
	p0 =	sne.s32 s2, $0x0  }
0x54: {  	s3 =	rddreg [dreg:$0x2];
	[bflag:$0x3] =	sbarrier.arrive $0xFFFF;
	s2 =	simm.s32 @!p0 $0x1C01  }
0x55: {  	[timem:s3], [sflag:s2] =	dma.local @!p0 [hbm:s0], s1  }
0x56: {  	s0 =	simm.s32 @!p0 $0x1  }
0x57: {  	_ =	swait.ge @!p0 [sflag:s0], s1  }
0x58: {  	s1 =	ssub.s32 @!p0 $0x0, s1;
	[sflag:s0] =	ssyncset.done @!p0 $0x0  }
0x59: {  	[sflag:s0] =	ssyncadd.s32 @!p0 s1  }
0x5a: {  	[bflag:$0x3] =	sbarrier.arrive $0xFFFF  }
0x5b: {  	_ =	shalt  }

</sc_bundles>
